<compile_context>
chip_gen: v7x
topology: tpu7x:2x2x1
jax: 0.10.2.dev20260603
libtpu: 0.0.44.dev20260713+nightly
codegen_flags: <defaults>
</compile_context>

<pallas_src>
import functools

import jax
import jax.numpy as jnp
from jax import lax
from jax.experimental import pallas as pl
from jax.experimental.pallas import tpu as pltpu
from jax.experimental.pallas import tpu_sc as plsc

NC = 2
NS = 16
NW = NC * NS
C = 80
ZR = 16


def _agg_body(h_hbm, src_hbm, dst_hbm, zeros_hbm, out_hbm, srcv, dstv, rows_a,
              zbuf, acc, sem_a):
    k_steps = src_hbm.shape[1]
    npad = acc.shape[0]
    rpt = npad // NS
    cid = lax.axis_index("c")
    sid = lax.axis_index("s")
    wid = cid * NS + sid

    pltpu.sync_copy(zeros_hbm, zbuf)

    def zcopy(it, carry):
        pltpu.sync_copy(zbuf, acc.at[pl.ds(sid * rpt + it * ZR, ZR)])
        return carry

    lax.fori_loop(0, rpt // ZR, zcopy, 0)
    plsc.subcore_barrier()
    plsc.subcore_barrier()

    pltpu.sync_copy(src_hbm.at[wid], srcv)
    pltpu.sync_copy(dst_hbm.at[wid], dstv)

    def step(i, carry):
        pltpu.async_copy(h_hbm.at[srcv.at[i]], rows_a, sem_a)
        pltpu.make_async_copy(h_hbm.at[srcv.at[i]], rows_a, sem_a).wait()
        pltpu.sync_copy(rows_a, acc.at[dstv.at[i]], add=True)
        return carry

    lax.fori_loop(0, k_steps, step, 0)
    plsc.subcore_barrier()
    plsc.subcore_barrier()

    pltpu.sync_copy(acc.at[pl.ds(sid * rpt, rpt)],
                    out_hbm.at[cid, pl.ds(sid * rpt, rpt)])


def _deg_body(dst_hbm, ones_hbm, zeros_hbm, out_hbm, dstv, ones_buf, zbuf, acc):
    k_steps = dst_hbm.shape[1]
    npad = acc.shape[0]
    d = acc.shape[1]
    rpt = npad // NS
    cid = lax.axis_index("c")
    sid = lax.axis_index("s")
    wid = cid * NS + sid

    pltpu.sync_copy(zeros_hbm, zbuf)
    pltpu.sync_copy(ones_hbm, ones_buf)

    def zcopy(it, carry):
        pltpu.sync_copy(zbuf, acc.at[pl.ds(sid * rpt + it * ZR, ZR)])
        return carry

    lax.fori_loop(0, rpt // ZR, zcopy, 0)
    plsc.subcore_barrier()
    plsc.subcore_barrier()

    pltpu.sync_copy(dst_hbm.at[wid], dstv)

    def step(i, carry):
        pltpu.sync_copy(ones_buf, acc.at[dstv.at[i]], add=True)
        return carry

    lax.fori_loop(0, k_steps, step, 0)
    plsc.subcore_barrier()
    plsc.subcore_barrier()

    pltpu.sync_copy(acc.at[pl.ds(sid * rpt, rpt)],
                    out_hbm.at[cid, pl.ds(sid * rpt, rpt)])


def _combine_body(relu, p0, p1, d0, d1, h, wl, bl, wr, o):
    deg = jnp.maximum(d0[:, 0:1] + d1[:, 0:1], 1.0)
    mean = (p0[...] + p1[...]) / deg
    r = (jnp.dot(mean, wl[...], preferred_element_type=jnp.float32)
         + jnp.dot(h[...], wr[...], preferred_element_type=jnp.float32)
         + bl[...])
    o[...] = jnp.maximum(r, 0.0) if relu else r


@functools.lru_cache(maxsize=None)
def _make_agg(npad, k_steps, d):
    mesh = plsc.VectorSubcoreMesh(core_axis_name="c", subcore_axis_name="s")
    return pl.kernel(
        _agg_body,
        mesh=mesh,
        out_type=jax.ShapeDtypeStruct((NC, npad, d), jnp.float32),
        scratch_types=[
            pltpu.VMEM((k_steps, C), jnp.int32),
            pltpu.VMEM((k_steps, C), jnp.int32),
            pltpu.VMEM((C, d), jnp.float32),
            pltpu.VMEM((ZR, d), jnp.float32),
            pltpu.VMEM_SHARED((npad, d), jnp.float32),
            pltpu.SemaphoreType.DMA,
        ],
    )


@functools.lru_cache(maxsize=None)
def _make_deg(npad, k_steps, d):
    mesh = plsc.VectorSubcoreMesh(core_axis_name="c", subcore_axis_name="s")
    return pl.kernel(
        _deg_body,
        mesh=mesh,
        out_type=jax.ShapeDtypeStruct((NC, npad, d), jnp.float32),
        scratch_types=[
            pltpu.VMEM((k_steps, C), jnp.int32),
            pltpu.VMEM((C, d), jnp.float32),
            pltpu.VMEM((ZR, d), jnp.float32),
            pltpu.VMEM_SHARED((npad, d), jnp.float32),
        ],
    )


@functools.lru_cache(maxsize=None)
def _make_combine(npad, d, relu, blk=256):
    bs_rows = pl.BlockSpec((blk, d), lambda i: (i, 0))
    bs_w = pl.BlockSpec((d, d), lambda i: (0, 0))
    bs_b = pl.BlockSpec((1, d), lambda i: (0, 0))
    return pl.pallas_call(
        functools.partial(_combine_body, relu),
        grid=(npad // blk,),
        in_specs=[bs_rows, bs_rows, bs_rows, bs_rows, bs_rows, bs_w, bs_b, bs_w],
        out_specs=bs_rows,
        out_shape=jax.ShapeDtypeStruct((npad, d), jnp.float32),
    )


def kernel(x, edge_index, Wl1, bl1, Wr1, Wl2, bl2, Wr2, Wl3, bl3, Wr3):
    n, d = x.shape
    e = edge_index.shape[1]

    npad = -(-n // (NS * ZR)) * (NS * ZR)
    k_steps = -(-e // (NW * C))
    k_steps += k_steps % 2
    epad = NW * k_steps * C

    src = jnp.concatenate(
        [edge_index[0], jnp.zeros((epad - e,), jnp.int32)]).reshape(NW, k_steps, C)
    dst = jnp.concatenate(
        [edge_index[1], jnp.full((epad - e,), npad - 1, jnp.int32)]).reshape(NW, k_steps, C)

    xp = jnp.pad(x, ((0, npad - n), (0, 0)))

    zeros = jnp.zeros((ZR, d), jnp.float32)
    ones = jnp.ones((C, d), jnp.float32)
    agg = _make_agg(npad, k_steps, d)
    deg = _make_deg(npad, k_steps, d)(dst, ones, zeros)
    xp, deg = lax.optimization_barrier((xp, deg))

    h = xp
    for wl, bl, wr, relu in ((Wl1, bl1, Wr1, True),
                             (Wl2, bl2, Wr2, True),
                             (Wl3, bl3, Wr3, False)):
        parts = agg(h, src, dst, zeros)
        h = _make_combine(npad, d, relu)(
            parts[0], parts[1], deg[0], deg[1], h, wl, bl.reshape(1, d), wr)
    return h[:n]

# --- scband reference (transcript-rebuilt; emitter-appended) ---
"""Pipeline reference for scband-mpn-14568529068159 (READ-ONLY COPY).

The authoritative reference and input builder live on the scoring server;
editing this copy changes nothing except your own understanding.
"""

import jax, jax.numpy as jnp
import numpy as np

N = 10000
E = 320000
D = 128
H = 128
O = 128


def setup_inputs(seed: int = 0) -> dict:
    key = jax.random.key(seed)
    ks = jax.random.split(key, 12)
    x = jax.random.normal(ks[0], (N, D), dtype=jnp.float32)
    edge_index = jax.random.randint(ks[1], (2, E), 0, N, dtype=jnp.int32)
    s1 = 1.0 / np.sqrt(D)
    s2 = 1.0 / np.sqrt(H)
    Wl1 = jax.random.uniform(ks[2], (D, H), jnp.float32, -s1, s1)
    bl1 = jnp.zeros((H,), jnp.float32)
    Wr1 = jax.random.uniform(ks[3], (D, H), jnp.float32, -s1, s1)
    Wl2 = jax.random.uniform(ks[4], (H, H), jnp.float32, -s2, s2)
    bl2 = jnp.zeros((H,), jnp.float32)
    Wr2 = jax.random.uniform(ks[5], (H, H), jnp.float32, -s2, s2)
    Wl3 = jax.random.uniform(ks[6], (H, O), jnp.float32, -s2, s2)
    bl3 = jnp.zeros((O,), jnp.float32)
    Wr3 = jax.random.uniform(ks[7], (H, O), jnp.float32, -s2, s2)
    return {"x": x, "edge_index": edge_index,
            "Wl1": Wl1, "bl1": bl1, "Wr1": Wr1,
            "Wl2": Wl2, "bl2": bl2, "Wr2": Wr2,
            "Wl3": Wl3, "bl3": bl3, "Wr3": Wr3}


def _sage_layer(x, src, dst, Wl, bl, Wr):
    # PyG SAGEConv: out = lin_l(mean_{j in N(i)} x_j) + lin_r(x_i)
    msg = jnp.take(x, src, axis=0)
    agg = jax.ops.segment_sum(msg, dst, num_segments=N)
    deg = jax.ops.segment_sum(jnp.ones((src.shape[0],), x.dtype), dst, num_segments=N)
    mean = agg / jnp.maximum(deg, 1.0)[:, None]
    return mean @ Wl + bl + x @ Wr


def reference(x, edge_index, Wl1, bl1, Wr1, Wl2, bl2, Wr2, Wl3, bl3, Wr3):
    src = edge_index[0]
    dst = edge_index[1]
    h = jax.nn.relu(_sage_layer(x, src, dst, Wl1, bl1, Wr1))
    h = jax.nn.relu(_sage_layer(h, src, dst, Wl2, bl2, Wr2))
    out = _sage_layer(h, src, dst, Wl3, bl3, Wr3)
    return out

if __name__ == "__main__":
    import jax
    _d = setup_inputs()
    print(jax.jit(kernel)(*tuple(_d.values())))

</pallas_src>

<mosaic_0001>
#map = affine_map<(d0, d1) -> (0, 0)>
#map1 = affine_map<(d0, d1) -> (0, 0, 0)>
module attributes {stable_mosaic.version = 14 : i64} {
  func.func @_agg_body(%arg0: i32, %arg1: i32, %arg2: memref<10240x128xf32, #tpu.memory_space<hbm>>, %arg3: memref<32x126x80xi32, #tpu.memory_space<hbm>>, %arg4: memref<32x126x80xi32, #tpu.memory_space<hbm>>, %arg5: memref<16x128xf32, #tpu.memory_space<hbm>>, %arg6: memref<2x10240x128xf32, #tpu.memory_space<hbm>>, %arg7: memref<126x80xi32, #tpu.memory_space<vmem>>, %arg8: memref<126x80xi32, #tpu.memory_space<vmem>>, %arg9: memref<80x128xf32, #tpu.memory_space<vmem>>, %arg10: memref<16x128xf32, #tpu.memory_space<vmem>>, %arg11: memref<10240x128xf32, #tpu.memory_space<vmem_shared>>, %arg12: memref<!tpu.dma_semaphore, #tpu.memory_space<semaphore_mem>>) attributes {dimension_semantics = [#tpu.dimension_semantics<core_parallel>, #tpu.dimension_semantics<subcore_parallel>], iteration_bounds = array<i64: 2, 16>, scalar_prefetch = 0 : i64, scratch_operands = 6 : i64, tpu.core_type = #tpu.core_type<sc_vector_subcore>, window_params = [{transform_indices = #map}, {transform_indices = #map1}, {transform_indices = #map1}, {transform_indices = #map}, {transform_indices = #map1}]} {
    %mul3A = arith.constant 16 : i32
    %mul3A_0 = arith.muli %arg0, %mul3A : i32
    %add3A = arith.addi %mul3A_0, %arg1 : i32
    "tpu.region"() ({
      %run_scoped3A = tpu.sem_alloc : memref<!tpu.dma_semaphore, #tpu.memory_space<semaphore_mem>>
      tpu.enqueue_dma source(%arg5 : memref<16x128xf32, #tpu.memory_space<hbm>>) target(%arg10 : memref<16x128xf32, #tpu.memory_space<vmem>>) target_semaphore(%run_scoped3A : memref<!tpu.dma_semaphore, #tpu.memory_space<semaphore_mem>>)
      tpu.wait_dma2 semaphore(%run_scoped3A : memref<!tpu.dma_semaphore, #tpu.memory_space<semaphore_mem>>) src(%arg5 : memref<16x128xf32, #tpu.memory_space<hbm>>) dst(%arg10 : memref<16x128xf32, #tpu.memory_space<vmem>>)
      tpu.yield
    }) : () -> ()
    %scan3A = arith.constant 0 : i32
    %scan3A_1 = arith.constant 0 : i32
    %scan3A_2 = arith.constant 40 : i32
    %scan3A_3 = arith.addi %scan3A_1, %scan3A_2 : i32
    %scan3A_4 = arith.constant 1 : i32
    scf.for %scan3A_19 = %scan3A_1 to %scan3A_3 step %scan3A_4  : i32 {
      %mul3A_20 = arith.constant 640 : i32
      %mul3A_21 = arith.muli %arg1, %mul3A_20 : i32
      %mul3A_22 = arith.constant 16 : i32
      %mul3A_23 = arith.muli %scan3A_19, %mul3A_22 : i32
      %add3A_24 = arith.addi %mul3A_21, %mul3A_23 : i32
      "tpu.region"() ({
        %run_scoped3A = tpu.sem_alloc : memref<!tpu.dma_semaphore, #tpu.memory_space<semaphore_mem>>
        %dma_start3A = arith.constant 0 : i32
        %dma_start3A_25 = tpu.memref_slice %arg11[%add3A_24, %dma_start3A] : memref<10240x128xf32, #tpu.memory_space<vmem_shared>> -> memref<16x128xf32, #tpu.memory_space<vmem_shared>>
        %dma_start3A_26 = arith.constant 0 : i32
        %dma_start3A_27 = tpu.memref_slice %arg11[%add3A_24, %dma_start3A_26] : memref<10240x128xf32, #tpu.memory_space<vmem_shared>> -> memref<16x128xf32, #tpu.memory_space<vmem_shared>>
        tpu.enqueue_dma source(%arg10 : memref<16x128xf32, #tpu.memory_space<vmem>>) target(%dma_start3A_27 : memref<16x128xf32, #tpu.memory_space<vmem_shared>>) target_semaphore(%run_scoped3A : memref<!tpu.dma_semaphore, #tpu.memory_space<semaphore_mem>>)
        %dma_wait3A = arith.constant 0 : i32
        %dma_wait3A_28 = tpu.memref_slice %arg11[%add3A_24, %dma_wait3A] : memref<10240x128xf32, #tpu.memory_space<vmem_shared>> -> memref<16x128xf32, #tpu.memory_space<vmem_shared>>
        %dma_wait3A_29 = arith.constant 0 : i32
        %dma_wait3A_30 = tpu.memref_slice %arg11[%add3A_24, %dma_wait3A_29] : memref<10240x128xf32, #tpu.memory_space<vmem_shared>> -> memref<16x128xf32, #tpu.memory_space<vmem_shared>>
        tpu.wait_dma2 semaphore(%run_scoped3A : memref<!tpu.dma_semaphore, #tpu.memory_space<semaphore_mem>>) src(%arg10 : memref<16x128xf32, #tpu.memory_space<vmem>>) dst(%dma_wait3A_30 : memref<16x128xf32, #tpu.memory_space<vmem_shared>>)
        tpu.yield
      }) : () -> ()
    }
    %scan3A_5 = arith.constant 40 : i32
    %barrier3A = arith.constant 0 : index
    tpu.barrier barrier_id(%barrier3A)
    %barrier3A_6 = arith.constant 0 : index
    tpu.barrier barrier_id(%barrier3A_6)
    "tpu.region"() ({
      %run_scoped3A = tpu.sem_alloc : memref<!tpu.dma_semaphore, #tpu.memory_space<semaphore_mem>>
      %dma_start3A = arith.constant 0 : i32
      %dma_start3A_19 = arith.constant 0 : i32
      %dma_start3A_20 = tpu.memref_slice %arg3[%add3A, %dma_start3A, %dma_start3A_19] : memref<32x126x80xi32, #tpu.memory_space<hbm>> -> memref<1x126x80xi32, #tpu.memory_space<hbm>>
      %dma_start3A_21 = tpu.memref_squeeze %dma_start3A_20 : memref<1x126x80xi32, #tpu.memory_space<hbm>> -> memref<126x80xi32, #tpu.memory_space<hbm>>
      %dma_start3A_22 = arith.constant 0 : i32
      %dma_start3A_23 = arith.constant 0 : i32
      %dma_start3A_24 = tpu.memref_slice %arg3[%add3A, %dma_start3A_22, %dma_start3A_23] : memref<32x126x80xi32, #tpu.memory_space<hbm>> -> memref<1x126x80xi32, #tpu.memory_space<hbm>>
      %dma_start3A_25 = tpu.memref_squeeze %dma_start3A_24 : memref<1x126x80xi32, #tpu.memory_space<hbm>> -> memref<126x80xi32, #tpu.memory_space<hbm>>
      tpu.enqueue_dma source(%dma_start3A_25 : memref<126x80xi32, #tpu.memory_space<hbm>>) target(%arg7 : memref<126x80xi32, #tpu.memory_space<vmem>>) target_semaphore(%run_scoped3A : memref<!tpu.dma_semaphore, #tpu.memory_space<semaphore_mem>>)
      %dma_wait3A = arith.constant 0 : i32
      %dma_wait3A_26 = arith.constant 0 : i32
      %dma_wait3A_27 = tpu.memref_slice %arg3[%add3A, %dma_wait3A, %dma_wait3A_26] : memref<32x126x80xi32, #tpu.memory_space<hbm>> -> memref<1x126x80xi32, #tpu.memory_space<hbm>>
      %dma_wait3A_28 = tpu.memref_squeeze %dma_wait3A_27 : memref<1x126x80xi32, #tpu.memory_space<hbm>> -> memref<126x80xi32, #tpu.memory_space<hbm>>
      %dma_wait3A_29 = arith.constant 0 : i32
      %dma_wait3A_30 = arith.constant 0 : i32
      %dma_wait3A_31 = tpu.memref_slice %arg3[%add3A, %dma_wait3A_29, %dma_wait3A_30] : memref<32x126x80xi32, #tpu.memory_space<hbm>> -> memref<1x126x80xi32, #tpu.memory_space<hbm>>
      %dma_wait3A_32 = tpu.memref_squeeze %dma_wait3A_31 : memref<1x126x80xi32, #tpu.memory_space<hbm>> -> memref<126x80xi32, #tpu.memory_space<hbm>>
      tpu.wait_dma2 semaphore(%run_scoped3A : memref<!tpu.dma_semaphore, #tpu.memory_space<semaphore_mem>>) src(%dma_wait3A_32 : memref<126x80xi32, #tpu.memory_space<hbm>>) dst(%arg7 : memref<126x80xi32, #tpu.memory_space<vmem>>)
      tpu.yield
    }) : () -> ()
    "tpu.region"() ({
      %run_scoped3A = tpu.sem_alloc : memref<!tpu.dma_semaphore, #tpu.memory_space<semaphore_mem>>
      %dma_start3A = arith.constant 0 : i32
      %dma_start3A_19 = arith.constant 0 : i32
      %dma_start3A_20 = tpu.memref_slice %arg4[%add3A, %dma_start3A, %dma_start3A_19] : memref<32x126x80xi32, #tpu.memory_space<hbm>> -> memref<1x126x80xi32, #tpu.memory_space<hbm>>
      %dma_start3A_21 = tpu.memref_squeeze %dma_start3A_20 : memref<1x126x80xi32, #tpu.memory_space<hbm>> -> memref<126x80xi32, #tpu.memory_space<hbm>>
      %dma_start3A_22 = arith.constant 0 : i32
      %dma_start3A_23 = arith.constant 0 : i32
      %dma_start3A_24 = tpu.memref_slice %arg4[%add3A, %dma_start3A_22, %dma_start3A_23] : memref<32x126x80xi32, #tpu.memory_space<hbm>> -> memref<1x126x80xi32, #tpu.memory_space<hbm>>
      %dma_start3A_25 = tpu.memref_squeeze %dma_start3A_24 : memref<1x126x80xi32, #tpu.memory_space<hbm>> -> memref<126x80xi32, #tpu.memory_space<hbm>>
      tpu.enqueue_dma source(%dma_start3A_25 : memref<126x80xi32, #tpu.memory_space<hbm>>) target(%arg8 : memref<126x80xi32, #tpu.memory_space<vmem>>) target_semaphore(%run_scoped3A : memref<!tpu.dma_semaphore, #tpu.memory_space<semaphore_mem>>)
      %dma_wait3A = arith.constant 0 : i32
      %dma_wait3A_26 = arith.constant 0 : i32
      %dma_wait3A_27 = tpu.memref_slice %arg4[%add3A, %dma_wait3A, %dma_wait3A_26] : memref<32x126x80xi32, #tpu.memory_space<hbm>> -> memref<1x126x80xi32, #tpu.memory_space<hbm>>
      %dma_wait3A_28 = tpu.memref_squeeze %dma_wait3A_27 : memref<1x126x80xi32, #tpu.memory_space<hbm>> -> memref<126x80xi32, #tpu.memory_space<hbm>>
      %dma_wait3A_29 = arith.constant 0 : i32
      %dma_wait3A_30 = arith.constant 0 : i32
      %dma_wait3A_31 = tpu.memref_slice %arg4[%add3A, %dma_wait3A_29, %dma_wait3A_30] : memref<32x126x80xi32, #tpu.memory_space<hbm>> -> memref<1x126x80xi32, #tpu.memory_space<hbm>>
      %dma_wait3A_32 = tpu.memref_squeeze %dma_wait3A_31 : memref<1x126x80xi32, #tpu.memory_space<hbm>> -> memref<126x80xi32, #tpu.memory_space<hbm>>
      tpu.wait_dma2 semaphore(%run_scoped3A : memref<!tpu.dma_semaphore, #tpu.memory_space<semaphore_mem>>) src(%dma_wait3A_32 : memref<126x80xi32, #tpu.memory_space<hbm>>) dst(%arg8 : memref<126x80xi32, #tpu.memory_space<vmem>>)
      tpu.yield
    }) : () -> ()
    %scan3A_7 = arith.constant 0 : i32
    %scan3A_8 = arith.constant 0 : i32
    %scan3A_9 = arith.constant 126 : i32
    %scan3A_10 = arith.addi %scan3A_8, %scan3A_9 : i32
    %scan3A_11 = arith.constant 1 : i32
    scf.for %scan3A_19 = %scan3A_8 to %scan3A_10 step %scan3A_11  : i32 {
      %dma_start3A = arith.constant 0 : i32
      %dma_start3A_20 = tpu.memref_slice %arg7[%scan3A_19, %dma_start3A] : memref<126x80xi32, #tpu.memory_space<vmem>> -> memref<1x80xi32, #tpu.memory_space<vmem>>
      %dma_start3A_21 = tpu.memref_squeeze %dma_start3A_20 : memref<1x80xi32, #tpu.memory_space<vmem>> -> memref<80xi32, #tpu.memory_space<vmem>>
      %dma_start3A_22 = arith.constant 0 : i32
      %dma_start3A_23 = arith.constant 0 : i32
      %dma_start3A_24 = tpu.memref_slice %arg2[%dma_start3A_22, %dma_start3A_23] : memref<10240x128xf32, #tpu.memory_space<hbm>> -> memref<10240x128xf32, #tpu.memory_space<hbm>>
      tpu.enqueue_indirect_dma source(%dma_start3A_24 : memref<10240x128xf32, #tpu.memory_space<hbm>>) target(%arg9 : memref<80x128xf32, #tpu.memory_space<vmem>>) offsets(%dma_start3A_21 : memref<80xi32, #tpu.memory_space<vmem>>) semaphore(%arg12 : memref<!tpu.dma_semaphore, #tpu.memory_space<semaphore_mem>>)
      %dma_wait3A = arith.constant 0 : i32
      %dma_wait3A_25 = tpu.memref_slice %arg7[%scan3A_19, %dma_wait3A] : memref<126x80xi32, #tpu.memory_space<vmem>> -> memref<1x80xi32, #tpu.memory_space<vmem>>
      %dma_wait3A_26 = tpu.memref_squeeze %dma_wait3A_25 : memref<1x80xi32, #tpu.memory_space<vmem>> -> memref<80xi32, #tpu.memory_space<vmem>>
      %dma_wait3A_27 = arith.constant 0 : i32
      %dma_wait3A_28 = arith.constant 0 : i32
      %dma_wait3A_29 = tpu.memref_slice %arg2[%dma_wait3A_27, %dma_wait3A_28] : memref<10240x128xf32, #tpu.memory_space<hbm>> -> memref<10240x128xf32, #tpu.memory_space<hbm>>
      tpu.wait_indirect_dma semaphore(%arg12 : memref<!tpu.dma_semaphore, #tpu.memory_space<semaphore_mem>>) src(%dma_wait3A_29 : memref<10240x128xf32, #tpu.memory_space<hbm>>) dst(%arg9 : memref<80x128xf32, #tpu.memory_space<vmem>>)
      "tpu.region"() ({
        %run_scoped3A = tpu.sem_alloc : memref<!tpu.dma_semaphore, #tpu.memory_space<semaphore_mem>>
        %dma_start3A_30 = arith.constant 0 : i32
        %dma_start3A_31 = tpu.memref_slice %arg8[%scan3A_19, %dma_start3A_30] : memref<126x80xi32, #tpu.memory_space<vmem>> -> memref<1x80xi32, #tpu.memory_space<vmem>>
        %dma_start3A_32 = tpu.memref_squeeze %dma_start3A_31 : memref<1x80xi32, #tpu.memory_space<vmem>> -> memref<80xi32, #tpu.memory_space<vmem>>
        %dma_start3A_33 = arith.constant 0 : i32
        %dma_start3A_34 = arith.constant 0 : i32
        %dma_start3A_35 = tpu.memref_slice %arg11[%dma_start3A_33, %dma_start3A_34] : memref<10240x128xf32, #tpu.memory_space<vmem_shared>> -> memref<10240x128xf32, #tpu.memory_space<vmem_shared>>
        tpu.enqueue_indirect_dma source(%arg9 : memref<80x128xf32, #tpu.memory_space<vmem>>) target(%dma_start3A_35 : memref<10240x128xf32, #tpu.memory_space<vmem_shared>>) offsets(%dma_start3A_32 : memref<80xi32, #tpu.memory_space<vmem>>) semaphore(%run_scoped3A : memref<!tpu.dma_semaphore, #tpu.memory_space<semaphore_mem>>) {add = true}
        %dma_wait3A_36 = arith.constant 0 : i32
        %dma_wait3A_37 = tpu.memref_slice %arg8[%scan3A_19, %dma_wait3A_36] : memref<126x80xi32, #tpu.memory_space<vmem>> -> memref<1x80xi32, #tpu.memory_space<vmem>>
        %dma_wait3A_38 = tpu.memref_squeeze %dma_wait3A_37 : memref<1x80xi32, #tpu.memory_space<vmem>> -> memref<80xi32, #tpu.memory_space<vmem>>
        %dma_wait3A_39 = arith.constant 0 : i32
        %dma_wait3A_40 = arith.constant 0 : i32
        %dma_wait3A_41 = tpu.memref_slice %arg11[%dma_wait3A_39, %dma_wait3A_40] : memref<10240x128xf32, #tpu.memory_space<vmem_shared>> -> memref<10240x128xf32, #tpu.memory_space<vmem_shared>>
        tpu.wait_indirect_dma semaphore(%run_scoped3A : memref<!tpu.dma_semaphore, #tpu.memory_space<semaphore_mem>>) src(%arg9 : memref<80x128xf32, #tpu.memory_space<vmem>>) dst(%dma_wait3A_41 : memref<10240x128xf32, #tpu.memory_space<vmem_shared>>)
        tpu.yield
      }) : () -> ()
    }
    %scan3A_12 = arith.constant 126 : i32
    %barrier3A_13 = arith.constant 0 : index
    tpu.barrier barrier_id(%barrier3A_13)
    %barrier3A_14 = arith.constant 0 : index
    tpu.barrier barrier_id(%barrier3A_14)
    %mul3A_15 = arith.constant 640 : i32
    %mul3A_16 = arith.muli %arg1, %mul3A_15 : i32
    %mul3A_17 = arith.constant 640 : i32
    %mul3A_18 = arith.muli %arg1, %mul3A_17 : i32
    "tpu.region"() ({
      %run_scoped3A = tpu.sem_alloc : memref<!tpu.dma_semaphore, #tpu.memory_space<semaphore_mem>>
      %dma_start3A = arith.constant 0 : i32
      %dma_start3A_19 = tpu.memref_slice %arg6[%arg0, %mul3A_18, %dma_start3A] : memref<2x10240x128xf32, #tpu.memory_space<hbm>> -> memref<1x640x128xf32, #tpu.memory_space<hbm>>
      %dma_start3A_20 = tpu.memref_squeeze %dma_start3A_19 : memref<1x640x128xf32, #tpu.memory_space<hbm>> -> memref<640x128xf32, #tpu.memory_space<hbm>>
      %dma_start3A_21 = arith.constant 0 : i32
      %dma_start3A_22 = tpu.memref_slice %arg11[%mul3A_16, %dma_start3A_21] : memref<10240x128xf32, #tpu.memory_space<vmem_shared>> -> memref<640x128xf32, #tpu.memory_space<vmem_shared>>
      tpu.enqueue_dma source(%dma_start3A_22 : memref<640x128xf32, #tpu.memory_space<vmem_shared>>) target(%dma_start3A_20 : memref<640x128xf32, #tpu.memory_space<hbm>>) target_semaphore(%run_scoped3A : memref<!tpu.dma_semaphore, #tpu.memory_space<semaphore_mem>>)
      %dma_wait3A = arith.constant 0 : i32
      %dma_wait3A_23 = tpu.memref_slice %arg6[%arg0, %mul3A_18, %dma_wait3A] : memref<2x10240x128xf32, #tpu.memory_space<hbm>> -> memref<1x640x128xf32, #tpu.memory_space<hbm>>
      %dma_wait3A_24 = tpu.memref_squeeze %dma_wait3A_23 : memref<1x640x128xf32, #tpu.memory_space<hbm>> -> memref<640x128xf32, #tpu.memory_space<hbm>>
      %dma_wait3A_25 = arith.constant 0 : i32
      %dma_wait3A_26 = tpu.memref_slice %arg11[%mul3A_16, %dma_wait3A_25] : memref<10240x128xf32, #tpu.memory_space<vmem_shared>> -> memref<640x128xf32, #tpu.memory_space<vmem_shared>>
      tpu.wait_dma2 semaphore(%run_scoped3A : memref<!tpu.dma_semaphore, #tpu.memory_space<semaphore_mem>>) src(%dma_wait3A_26 : memref<640x128xf32, #tpu.memory_space<vmem_shared>>) dst(%dma_wait3A_24 : memref<640x128xf32, #tpu.memory_space<hbm>>)
      tpu.yield
    }) : () -> ()
    return
  }
}

#map = affine_map<(d0, d1) -> (0, 0, 0)>
#map1 = affine_map<(d0, d1) -> (0, 0)>
module attributes {stable_mosaic.version = 14 : i64} {
  func.func @_deg_body(%arg0: i32, %arg1: i32, %arg2: memref<32x126x80xi32, #tpu.memory_space<hbm>>, %arg3: memref<80x128xf32, #tpu.memory_space<hbm>>, %arg4: memref<16x128xf32, #tpu.memory_space<hbm>>, %arg5: memref<2x10240x128xf32, #tpu.memory_space<hbm>>, %arg6: memref<126x80xi32, #tpu.memory_space<vmem>>, %arg7: memref<80x128xf32, #tpu.memory_space<vmem>>, %arg8: memref<16x128xf32, #tpu.memory_space<vmem>>, %arg9: memref<10240x128xf32, #tpu.memory_space<vmem_shared>>) attributes {dimension_semantics = [#tpu.dimension_semantics<core_parallel>, #tpu.dimension_semantics<subcore_parallel>], iteration_bounds = array<i64: 2, 16>, scalar_prefetch = 0 : i64, scratch_operands = 4 : i64, tpu.core_type = #tpu.core_type<sc_vector_subcore>, window_params = [{transform_indices = #map}, {transform_indices = #map1}, {transform_indices = #map1}, {transform_indices = #map}]} {
    %mul3A = arith.constant 16 : i32
    %mul3A_0 = arith.muli %arg0, %mul3A : i32
    %add3A = arith.addi %mul3A_0, %arg1 : i32
    "tpu.region"() ({
      %run_scoped3A = tpu.sem_alloc : memref<!tpu.dma_semaphore, #tpu.memory_space<semaphore_mem>>
      tpu.enqueue_dma source(%arg4 : memref<16x128xf32, #tpu.memory_space<hbm>>) target(%arg8 : memref<16x128xf32, #tpu.memory_space<vmem>>) target_semaphore(%run_scoped3A : memref<!tpu.dma_semaphore, #tpu.memory_space<semaphore_mem>>)
      tpu.wait_dma2 semaphore(%run_scoped3A : memref<!tpu.dma_semaphore, #tpu.memory_space<semaphore_mem>>) src(%arg4 : memref<16x128xf32, #tpu.memory_space<hbm>>) dst(%arg8 : memref<16x128xf32, #tpu.memory_space<vmem>>)
      tpu.yield
    }) : () -> ()
    "tpu.region"() ({
      %run_scoped3A = tpu.sem_alloc : memref<!tpu.dma_semaphore, #tpu.memory_space<semaphore_mem>>
      tpu.enqueue_dma source(%arg3 : memref<80x128xf32, #tpu.memory_space<hbm>>) target(%arg7 : memref<80x128xf32, #tpu.memory_space<vmem>>) target_semaphore(%run_scoped3A : memref<!tpu.dma_semaphore, #tpu.memory_space<semaphore_mem>>)
      tpu.wait_dma2 semaphore(%run_scoped3A : memref<!tpu.dma_semaphore, #tpu.memory_space<semaphore_mem>>) src(%arg3 : memref<80x128xf32, #tpu.memory_space<hbm>>) dst(%arg7 : memref<80x128xf32, #tpu.memory_space<vmem>>)
      tpu.yield
    }) : () -> ()
    %scan3A = arith.constant 0 : i32
    %scan3A_1 = arith.constant 0 : i32
    %scan3A_2 = arith.constant 40 : i32
    %scan3A_3 = arith.addi %scan3A_1, %scan3A_2 : i32
    %scan3A_4 = arith.constant 1 : i32
    scf.for %scan3A_19 = %scan3A_1 to %scan3A_3 step %scan3A_4  : i32 {
      %mul3A_20 = arith.constant 640 : i32
      %mul3A_21 = arith.muli %arg1, %mul3A_20 : i32
      %mul3A_22 = arith.constant 16 : i32
      %mul3A_23 = arith.muli %scan3A_19, %mul3A_22 : i32
      %add3A_24 = arith.addi %mul3A_21, %mul3A_23 : i32
      "tpu.region"() ({
        %run_scoped3A = tpu.sem_alloc : memref<!tpu.dma_semaphore, #tpu.memory_space<semaphore_mem>>
        %dma_start3A = arith.constant 0 : i32
        %dma_start3A_25 = tpu.memref_slice %arg9[%add3A_24, %dma_start3A] : memref<10240x128xf32, #tpu.memory_space<vmem_shared>> -> memref<16x128xf32, #tpu.memory_space<vmem_shared>>
        %dma_start3A_26 = arith.constant 0 : i32
        %dma_start3A_27 = tpu.memref_slice %arg9[%add3A_24, %dma_start3A_26] : memref<10240x128xf32, #tpu.memory_space<vmem_shared>> -> memref<16x128xf32, #tpu.memory_space<vmem_shared>>
        tpu.enqueue_dma source(%arg8 : memref<16x128xf32, #tpu.memory_space<vmem>>) target(%dma_start3A_27 : memref<16x128xf32, #tpu.memory_space<vmem_shared>>) target_semaphore(%run_scoped3A : memref<!tpu.dma_semaphore, #tpu.memory_space<semaphore_mem>>)
        %dma_wait3A = arith.constant 0 : i32
        %dma_wait3A_28 = tpu.memref_slice %arg9[%add3A_24, %dma_wait3A] : memref<10240x128xf32, #tpu.memory_space<vmem_shared>> -> memref<16x128xf32, #tpu.memory_space<vmem_shared>>
        %dma_wait3A_29 = arith.constant 0 : i32
        %dma_wait3A_30 = tpu.memref_slice %arg9[%add3A_24, %dma_wait3A_29] : memref<10240x128xf32, #tpu.memory_space<vmem_shared>> -> memref<16x128xf32, #tpu.memory_space<vmem_shared>>
        tpu.wait_dma2 semaphore(%run_scoped3A : memref<!tpu.dma_semaphore, #tpu.memory_space<semaphore_mem>>) src(%arg8 : memref<16x128xf32, #tpu.memory_space<vmem>>) dst(%dma_wait3A_30 : memref<16x128xf32, #tpu.memory_space<vmem_shared>>)
        tpu.yield
      }) : () -> ()
    }
    %scan3A_5 = arith.constant 40 : i32
    %barrier3A = arith.constant 0 : index
    tpu.barrier barrier_id(%barrier3A)
    %barrier3A_6 = arith.constant 0 : index
    tpu.barrier barrier_id(%barrier3A_6)
    "tpu.region"() ({
      %run_scoped3A = tpu.sem_alloc : memref<!tpu.dma_semaphore, #tpu.memory_space<semaphore_mem>>
      %dma_start3A = arith.constant 0 : i32
      %dma_start3A_19 = arith.constant 0 : i32
      %dma_start3A_20 = tpu.memref_slice %arg2[%add3A, %dma_start3A, %dma_start3A_19] : memref<32x126x80xi32, #tpu.memory_space<hbm>> -> memref<1x126x80xi32, #tpu.memory_space<hbm>>
      %dma_start3A_21 = tpu.memref_squeeze %dma_start3A_20 : memref<1x126x80xi32, #tpu.memory_space<hbm>> -> memref<126x80xi32, #tpu.memory_space<hbm>>
      %dma_start3A_22 = arith.constant 0 : i32
      %dma_start3A_23 = arith.constant 0 : i32
      %dma_start3A_24 = tpu.memref_slice %arg2[%add3A, %dma_start3A_22, %dma_start3A_23] : memref<32x126x80xi32, #tpu.memory_space<hbm>> -> memref<1x126x80xi32, #tpu.memory_space<hbm>>
      %dma_start3A_25 = tpu.memref_squeeze %dma_start3A_24 : memref<1x126x80xi32, #tpu.memory_space<hbm>> -> memref<126x80xi32, #tpu.memory_space<hbm>>
      tpu.enqueue_dma source(%dma_start3A_25 : memref<126x80xi32, #tpu.memory_space<hbm>>) target(%arg6 : memref<126x80xi32, #tpu.memory_space<vmem>>) target_semaphore(%run_scoped3A : memref<!tpu.dma_semaphore, #tpu.memory_space<semaphore_mem>>)
      %dma_wait3A = arith.constant 0 : i32
      %dma_wait3A_26 = arith.constant 0 : i32
      %dma_wait3A_27 = tpu.memref_slice %arg2[%add3A, %dma_wait3A, %dma_wait3A_26] : memref<32x126x80xi32, #tpu.memory_space<hbm>> -> memref<1x126x80xi32, #tpu.memory_space<hbm>>
      %dma_wait3A_28 = tpu.memref_squeeze %dma_wait3A_27 : memref<1x126x80xi32, #tpu.memory_space<hbm>> -> memref<126x80xi32, #tpu.memory_space<hbm>>
      %dma_wait3A_29 = arith.constant 0 : i32
      %dma_wait3A_30 = arith.constant 0 : i32
      %dma_wait3A_31 = tpu.memref_slice %arg2[%add3A, %dma_wait3A_29, %dma_wait3A_30] : memref<32x126x80xi32, #tpu.memory_space<hbm>> -> memref<1x126x80xi32, #tpu.memory_space<hbm>>
      %dma_wait3A_32 = tpu.memref_squeeze %dma_wait3A_31 : memref<1x126x80xi32, #tpu.memory_space<hbm>> -> memref<126x80xi32, #tpu.memory_space<hbm>>
      tpu.wait_dma2 semaphore(%run_scoped3A : memref<!tpu.dma_semaphore, #tpu.memory_space<semaphore_mem>>) src(%dma_wait3A_32 : memref<126x80xi32, #tpu.memory_space<hbm>>) dst(%arg6 : memref<126x80xi32, #tpu.memory_space<vmem>>)
      tpu.yield
    }) : () -> ()
    %scan3A_7 = arith.constant 0 : i32
    %scan3A_8 = arith.constant 0 : i32
    %scan3A_9 = arith.constant 126 : i32
    %scan3A_10 = arith.addi %scan3A_8, %scan3A_9 : i32
    %scan3A_11 = arith.constant 1 : i32
    scf.for %scan3A_19 = %scan3A_8 to %scan3A_10 step %scan3A_11  : i32 {
      "tpu.region"() ({
        %run_scoped3A = tpu.sem_alloc : memref<!tpu.dma_semaphore, #tpu.memory_space<semaphore_mem>>
        %dma_start3A = arith.constant 0 : i32
        %dma_start3A_20 = tpu.memref_slice %arg6[%scan3A_19, %dma_start3A] : memref<126x80xi32, #tpu.memory_space<vmem>> -> memref<1x80xi32, #tpu.memory_space<vmem>>
        %dma_start3A_21 = tpu.memref_squeeze %dma_start3A_20 : memref<1x80xi32, #tpu.memory_space<vmem>> -> memref<80xi32, #tpu.memory_space<vmem>>
        %dma_start3A_22 = arith.constant 0 : i32
        %dma_start3A_23 = arith.constant 0 : i32
        %dma_start3A_24 = tpu.memref_slice %arg9[%dma_start3A_22, %dma_start3A_23] : memref<10240x128xf32, #tpu.memory_space<vmem_shared>> -> memref<10240x128xf32, #tpu.memory_space<vmem_shared>>
        tpu.enqueue_indirect_dma source(%arg7 : memref<80x128xf32, #tpu.memory_space<vmem>>) target(%dma_start3A_24 : memref<10240x128xf32, #tpu.memory_space<vmem_shared>>) offsets(%dma_start3A_21 : memref<80xi32, #tpu.memory_space<vmem>>) semaphore(%run_scoped3A : memref<!tpu.dma_semaphore, #tpu.memory_space<semaphore_mem>>) {add = true}
        %dma_wait3A = arith.constant 0 : i32
        %dma_wait3A_25 = tpu.memref_slice %arg6[%scan3A_19, %dma_wait3A] : memref<126x80xi32, #tpu.memory_space<vmem>> -> memref<1x80xi32, #tpu.memory_space<vmem>>
        %dma_wait3A_26 = tpu.memref_squeeze %dma_wait3A_25 : memref<1x80xi32, #tpu.memory_space<vmem>> -> memref<80xi32, #tpu.memory_space<vmem>>
        %dma_wait3A_27 = arith.constant 0 : i32
        %dma_wait3A_28 = arith.constant 0 : i32
        %dma_wait3A_29 = tpu.memref_slice %arg9[%dma_wait3A_27, %dma_wait3A_28] : memref<10240x128xf32, #tpu.memory_space<vmem_shared>> -> memref<10240x128xf32, #tpu.memory_space<vmem_shared>>
        tpu.wait_indirect_dma semaphore(%run_scoped3A : memref<!tpu.dma_semaphore, #tpu.memory_space<semaphore_mem>>) src(%arg7 : memref<80x128xf32, #tpu.memory_space<vmem>>) dst(%dma_wait3A_29 : memref<10240x128xf32, #tpu.memory_space<vmem_shared>>)
        tpu.yield
      }) : () -> ()
    }
    %scan3A_12 = arith.constant 126 : i32
    %barrier3A_13 = arith.constant 0 : index
    tpu.barrier barrier_id(%barrier3A_13)
    %barrier3A_14 = arith.constant 0 : index
    tpu.barrier barrier_id(%barrier3A_14)
    %mul3A_15 = arith.constant 640 : i32
    %mul3A_16 = arith.muli %arg1, %mul3A_15 : i32
    %mul3A_17 = arith.constant 640 : i32
    %mul3A_18 = arith.muli %arg1, %mul3A_17 : i32
    "tpu.region"() ({
      %run_scoped3A = tpu.sem_alloc : memref<!tpu.dma_semaphore, #tpu.memory_space<semaphore_mem>>
      %dma_start3A = arith.constant 0 : i32
      %dma_start3A_19 = tpu.memref_slice %arg5[%arg0, %mul3A_18, %dma_start3A] : memref<2x10240x128xf32, #tpu.memory_space<hbm>> -> memref<1x640x128xf32, #tpu.memory_space<hbm>>
      %dma_start3A_20 = tpu.memref_squeeze %dma_start3A_19 : memref<1x640x128xf32, #tpu.memory_space<hbm>> -> memref<640x128xf32, #tpu.memory_space<hbm>>
      %dma_start3A_21 = arith.constant 0 : i32
      %dma_start3A_22 = tpu.memref_slice %arg9[%mul3A_16, %dma_start3A_21] : memref<10240x128xf32, #tpu.memory_space<vmem_shared>> -> memref<640x128xf32, #tpu.memory_space<vmem_shared>>
      tpu.enqueue_dma source(%dma_start3A_22 : memref<640x128xf32, #tpu.memory_space<vmem_shared>>) target(%dma_start3A_20 : memref<640x128xf32, #tpu.memory_space<hbm>>) target_semaphore(%run_scoped3A : memref<!tpu.dma_semaphore, #tpu.memory_space<semaphore_mem>>)
      %dma_wait3A = arith.constant 0 : i32
      %dma_wait3A_23 = tpu.memref_slice %arg5[%arg0, %mul3A_18, %dma_wait3A] : memref<2x10240x128xf32, #tpu.memory_space<hbm>> -> memref<1x640x128xf32, #tpu.memory_space<hbm>>
      %dma_wait3A_24 = tpu.memref_squeeze %dma_wait3A_23 : memref<1x640x128xf32, #tpu.memory_space<hbm>> -> memref<640x128xf32, #tpu.memory_space<hbm>>
      %dma_wait3A_25 = arith.constant 0 : i32
      %dma_wait3A_26 = tpu.memref_slice %arg9[%mul3A_16, %dma_wait3A_25] : memref<10240x128xf32, #tpu.memory_space<vmem_shared>> -> memref<640x128xf32, #tpu.memory_space<vmem_shared>>
      tpu.wait_dma2 semaphore(%run_scoped3A : memref<!tpu.dma_semaphore, #tpu.memory_space<semaphore_mem>>) src(%dma_wait3A_26 : memref<640x128xf32, #tpu.memory_space<vmem_shared>>) dst(%dma_wait3A_24 : memref<640x128xf32, #tpu.memory_space<hbm>>)
      tpu.yield
    }) : () -> ()
    return
  }
}

#map = affine_map<(d0, d1) -> (0, 0)>
#map1 = affine_map<(d0, d1) -> (0, 0, 0)>
module attributes {stable_mosaic.version = 14 : i64} {
  func.func @_agg_body(%arg0: i32, %arg1: i32, %arg2: memref<10240x128xf32, #tpu.memory_space<hbm>>, %arg3: memref<32x126x80xi32, #tpu.memory_space<hbm>>, %arg4: memref<32x126x80xi32, #tpu.memory_space<hbm>>, %arg5: memref<16x128xf32, #tpu.memory_space<hbm>>, %arg6: memref<2x10240x128xf32, #tpu.memory_space<hbm>>, %arg7: memref<126x80xi32, #tpu.memory_space<vmem>>, %arg8: memref<126x80xi32, #tpu.memory_space<vmem>>, %arg9: memref<80x128xf32, #tpu.memory_space<vmem>>, %arg10: memref<16x128xf32, #tpu.memory_space<vmem>>, %arg11: memref<10240x128xf32, #tpu.memory_space<vmem_shared>>, %arg12: memref<!tpu.dma_semaphore, #tpu.memory_space<semaphore_mem>>) attributes {dimension_semantics = [#tpu.dimension_semantics<core_parallel>, #tpu.dimension_semantics<subcore_parallel>], iteration_bounds = array<i64: 2, 16>, scalar_prefetch = 0 : i64, scratch_operands = 6 : i64, tpu.core_type = #tpu.core_type<sc_vector_subcore>, window_params = [{transform_indices = #map}, {transform_indices = #map1}, {transform_indices = #map1}, {transform_indices = #map}, {transform_indices = #map1}]} {
    %mul3A = arith.constant 16 : i32
    %mul3A_0 = arith.muli %arg0, %mul3A : i32
    %add3A = arith.addi %mul3A_0, %arg1 : i32
    "tpu.region"() ({
      %run_scoped3A = tpu.sem_alloc : memref<!tpu.dma_semaphore, #tpu.memory_space<semaphore_mem>>
      tpu.enqueue_dma source(%arg5 : memref<16x128xf32, #tpu.memory_space<hbm>>) target(%arg10 : memref<16x128xf32, #tpu.memory_space<vmem>>) target_semaphore(%run_scoped3A : memref<!tpu.dma_semaphore, #tpu.memory_space<semaphore_mem>>)
      tpu.wait_dma2 semaphore(%run_scoped3A : memref<!tpu.dma_semaphore, #tpu.memory_space<semaphore_mem>>) src(%arg5 : memref<16x128xf32, #tpu.memory_space<hbm>>) dst(%arg10 : memref<16x128xf32, #tpu.memory_space<vmem>>)
      tpu.yield
    }) : () -> ()
    %scan3A = arith.constant 0 : i32
    %scan3A_1 = arith.constant 0 : i32
    %scan3A_2 = arith.constant 40 : i32
    %scan3A_3 = arith.addi %scan3A_1, %scan3A_2 : i32
    %scan3A_4 = arith.constant 1 : i32
    scf.for %scan3A_19 = %scan3A_1 to %scan3A_3 step %scan3A_4  : i32 {
      %mul3A_20 = arith.constant 640 : i32
      %mul3A_21 = arith.muli %arg1, %mul3A_20 : i32
      %mul3A_22 = arith.constant 16 : i32
      %mul3A_23 = arith.muli %scan3A_19, %mul3A_22 : i32
      %add3A_24 = arith.addi %mul3A_21, %mul3A_23 : i32
      "tpu.region"() ({
        %run_scoped3A = tpu.sem_alloc : memref<!tpu.dma_semaphore, #tpu.memory_space<semaphore_mem>>
        %dma_start3A = arith.constant 0 : i32
        %dma_start3A_25 = tpu.memref_slice %arg11[%add3A_24, %dma_start3A] : memref<10240x128xf32, #tpu.memory_space<vmem_shared>> -> memref<16x128xf32, #tpu.memory_space<vmem_shared>>
        %dma_start3A_26 = arith.constant 0 : i32
        %dma_start3A_27 = tpu.memref_slice %arg11[%add3A_24, %dma_start3A_26] : memref<10240x128xf32, #tpu.memory_space<vmem_shared>> -> memref<16x128xf32, #tpu.memory_space<vmem_shared>>
        tpu.enqueue_dma source(%arg10 : memref<16x128xf32, #tpu.memory_space<vmem>>) target(%dma_start3A_27 : memref<16x128xf32, #tpu.memory_space<vmem_shared>>) target_semaphore(%run_scoped3A : memref<!tpu.dma_semaphore, #tpu.memory_space<semaphore_mem>>)
        %dma_wait3A = arith.constant 0 : i32
        %dma_wait3A_28 = tpu.memref_slice %arg11[%add3A_24, %dma_wait3A] : memref<10240x128xf32, #tpu.memory_space<vmem_shared>> -> memref<16x128xf32, #tpu.memory_space<vmem_shared>>
        %dma_wait3A_29 = arith.constant 0 : i32
        %dma_wait3A_30 = tpu.memref_slice %arg11[%add3A_24, %dma_wait3A_29] : memref<10240x128xf32, #tpu.memory_space<vmem_shared>> -> memref<16x128xf32, #tpu.memory_space<vmem_shared>>
        tpu.wait_dma2 semaphore(%run_scoped3A : memref<!tpu.dma_semaphore, #tpu.memory_space<semaphore_mem>>) src(%arg10 : memref<16x128xf32, #tpu.memory_space<vmem>>) dst(%dma_wait3A_30 : memref<16x128xf32, #tpu.memory_space<vmem_shared>>)
        tpu.yield
      }) : () -> ()
    }
    %scan3A_5 = arith.constant 40 : i32
    %barrier3A = arith.constant 0 : index
    tpu.barrier barrier_id(%barrier3A)
    %barrier3A_6 = arith.constant 0 : index
    tpu.barrier barrier_id(%barrier3A_6)
    "tpu.region"() ({
      %run_scoped3A = tpu.sem_alloc : memref<!tpu.dma_semaphore, #tpu.memory_space<semaphore_mem>>
      %dma_start3A = arith.constant 0 : i32
      %dma_start3A_19 = arith.constant 0 : i32
      %dma_start3A_20 = tpu.memref_slice %arg3[%add3A, %dma_start3A, %dma_start3A_19] : memref<32x126x80xi32, #tpu.memory_space<hbm>> -> memref<1x126x80xi32, #tpu.memory_space<hbm>>
      %dma_start3A_21 = tpu.memref_squeeze %dma_start3A_20 : memref<1x126x80xi32, #tpu.memory_space<hbm>> -> memref<126x80xi32, #tpu.memory_space<hbm>>
      %dma_start3A_22 = arith.constant 0 : i32
      %dma_start3A_23 = arith.constant 0 : i32
      %dma_start3A_24 = tpu.memref_slice %arg3[%add3A, %dma_start3A_22, %dma_start3A_23] : memref<32x126x80xi32, #tpu.memory_space<hbm>> -> memref<1x126x80xi32, #tpu.memory_space<hbm>>
      %dma_start3A_25 = tpu.memref_squeeze %dma_start3A_24 : memref<1x126x80xi32, #tpu.memory_space<hbm>> -> memref<126x80xi32, #tpu.memory_space<hbm>>
      tpu.enqueue_dma source(%dma_start3A_25 : memref<126x80xi32, #tpu.memory_space<hbm>>) target(%arg7 : memref<126x80xi32, #tpu.memory_space<vmem>>) target_semaphore(%run_scoped3A : memref<!tpu.dma_semaphore, #tpu.memory_space<semaphore_mem>>)
      %dma_wait3A = arith.constant 0 : i32
      %dma_wait3A_26 = arith.constant 0 : i32
      %dma_wait3A_27 = tpu.memref_slice %arg3[%add3A, %dma_wait3A, %dma_wait3A_26] : memref<32x126x80xi32, #tpu.memory_space<hbm>> -> memref<1x126x80xi32, #tpu.memory_space<hbm>>
      %dma_wait3A_28 = tpu.memref_squeeze %dma_wait3A_27 : memref<1x126x80xi32, #tpu.memory_space<hbm>> -> memref<126x80xi32, #tpu.memory_space<hbm>>
      %dma_wait3A_29 = arith.constant 0 : i32
      %dma_wait3A_30 = arith.constant 0 : i32
      %dma_wait3A_31 = tpu.memref_slice %arg3[%add3A, %dma_wait3A_29, %dma_wait3A_30] : memref<32x126x80xi32, #tpu.memory_space<hbm>> -> memref<1x126x80xi32, #tpu.memory_space<hbm>>
      %dma_wait3A_32 = tpu.memref_squeeze %dma_wait3A_31 : memref<1x126x80xi32, #tpu.memory_space<hbm>> -> memref<126x80xi32, #tpu.memory_space<hbm>>
      tpu.wait_dma2 semaphore(%run_scoped3A : memref<!tpu.dma_semaphore, #tpu.memory_space<semaphore_mem>>) src(%dma_wait3A_32 : memref<126x80xi32, #tpu.memory_space<hbm>>) dst(%arg7 : memref<126x80xi32, #tpu.memory_space<vmem>>)
      tpu.yield
    }) : () -> ()
    "tpu.region"() ({
      %run_scoped3A = tpu.sem_alloc : memref<!tpu.dma_semaphore, #tpu.memory_space<semaphore_mem>>
      %dma_start3A = arith.constant 0 : i32
      %dma_start3A_19 = arith.constant 0 : i32
      %dma_start3A_20 = tpu.memref_slice %arg4[%add3A, %dma_start3A, %dma_start3A_19] : memref<32x126x80xi32, #tpu.memory_space<hbm>> -> memref<1x126x80xi32, #tpu.memory_space<hbm>>
      %dma_start3A_21 = tpu.memref_squeeze %dma_start3A_20 : memref<1x126x80xi32, #tpu.memory_space<hbm>> -> memref<126x80xi32, #tpu.memory_space<hbm>>
      %dma_start3A_22 = arith.constant 0 : i32
      %dma_start3A_23 = arith.constant 0 : i32
      %dma_start3A_24 = tpu.memref_slice %arg4[%add3A, %dma_start3A_22, %dma_start3A_23] : memref<32x126x80xi32, #tpu.memory_space<hbm>> -> memref<1x126x80xi32, #tpu.memory_space<hbm>>
      %dma_start3A_25 = tpu.memref_squeeze %dma_start3A_24 : memref<1x126x80xi32, #tpu.memory_space<hbm>> -> memref<126x80xi32, #tpu.memory_space<hbm>>
      tpu.enqueue_dma source(%dma_start3A_25 : memref<126x80xi32, #tpu.memory_space<hbm>>) target(%arg8 : memref<126x80xi32, #tpu.memory_space<vmem>>) target_semaphore(%run_scoped3A : memref<!tpu.dma_semaphore, #tpu.memory_space<semaphore_mem>>)
      %dma_wait3A = arith.constant 0 : i32
      %dma_wait3A_26 = arith.constant 0 : i32
      %dma_wait3A_27 = tpu.memref_slice %arg4[%add3A, %dma_wait3A, %dma_wait3A_26] : memref<32x126x80xi32, #tpu.memory_space<hbm>> -> memref<1x126x80xi32, #tpu.memory_space<hbm>>
      %dma_wait3A_28 = tpu.memref_squeeze %dma_wait3A_27 : memref<1x126x80xi32, #tpu.memory_space<hbm>> -> memref<126x80xi32, #tpu.memory_space<hbm>>
      %dma_wait3A_29 = arith.constant 0 : i32
      %dma_wait3A_30 = arith.constant 0 : i32
      %dma_wait3A_31 = tpu.memref_slice %arg4[%add3A, %dma_wait3A_29, %dma_wait3A_30] : memref<32x126x80xi32, #tpu.memory_space<hbm>> -> memref<1x126x80xi32, #tpu.memory_space<hbm>>
      %dma_wait3A_32 = tpu.memref_squeeze %dma_wait3A_31 : memref<1x126x80xi32, #tpu.memory_space<hbm>> -> memref<126x80xi32, #tpu.memory_space<hbm>>
      tpu.wait_dma2 semaphore(%run_scoped3A : memref<!tpu.dma_semaphore, #tpu.memory_space<semaphore_mem>>) src(%dma_wait3A_32 : memref<126x80xi32, #tpu.memory_space<hbm>>) dst(%arg8 : memref<126x80xi32, #tpu.memory_space<vmem>>)
      tpu.yield
    }) : () -> ()
    %scan3A_7 = arith.constant 0 : i32
    %scan3A_8 = arith.constant 0 : i32
    %scan3A_9 = arith.constant 126 : i32
    %scan3A_10 = arith.addi %scan3A_8, %scan3A_9 : i32
    %scan3A_11 = arith.constant 1 : i32
    scf.for %scan3A_19 = %scan3A_8 to %scan3A_10 step %scan3A_11  : i32 {
      %dma_start3A = arith.constant 0 : i32
      %dma_start3A_20 = tpu.memref_slice %arg7[%scan3A_19, %dma_start3A] : memref<126x80xi32, #tpu.memory_space<vmem>> -> memref<1x80xi32, #tpu.memory_space<vmem>>
      %dma_start3A_21 = tpu.memref_squeeze %dma_start3A_20 : memref<1x80xi32, #tpu.memory_space<vmem>> -> memref<80xi32, #tpu.memory_space<vmem>>
      %dma_start3A_22 = arith.constant 0 : i32
      %dma_start3A_23 = arith.constant 0 : i32
      %dma_start3A_24 = tpu.memref_slice %arg2[%dma_start3A_22, %dma_start3A_23] : memref<10240x128xf32, #tpu.memory_space<hbm>> -> memref<10240x128xf32, #tpu.memory_space<hbm>>
      tpu.enqueue_indirect_dma source(%dma_start3A_24 : memref<10240x128xf32, #tpu.memory_space<hbm>>) target(%arg9 : memref<80x128xf32, #tpu.memory_space<vmem>>) offsets(%dma_start3A_21 : memref<80xi32, #tpu.memory_space<vmem>>) semaphore(%arg12 : memref<!tpu.dma_semaphore, #tpu.memory_space<semaphore_mem>>)
      %dma_wait3A = arith.constant 0 : i32
      %dma_wait3A_25 = tpu.memref_slice %arg7[%scan3A_19, %dma_wait3A] : memref<126x80xi32, #tpu.memory_space<vmem>> -> memref<1x80xi32, #tpu.memory_space<vmem>>
      %dma_wait3A_26 = tpu.memref_squeeze %dma_wait3A_25 : memref<1x80xi32, #tpu.memory_space<vmem>> -> memref<80xi32, #tpu.memory_space<vmem>>
      %dma_wait3A_27 = arith.constant 0 : i32
      %dma_wait3A_28 = arith.constant 0 : i32
      %dma_wait3A_29 = tpu.memref_slice %arg2[%dma_wait3A_27, %dma_wait3A_28] : memref<10240x128xf32, #tpu.memory_space<hbm>> -> memref<10240x128xf32, #tpu.memory_space<hbm>>
      tpu.wait_indirect_dma semaphore(%arg12 : memref<!tpu.dma_semaphore, #tpu.memory_space<semaphore_mem>>) src(%dma_wait3A_29 : memref<10240x128xf32, #tpu.memory_space<hbm>>) dst(%arg9 : memref<80x128xf32, #tpu.memory_space<vmem>>)
      "tpu.region"() ({
        %run_scoped3A = tpu.sem_alloc : memref<!tpu.dma_semaphore, #tpu.memory_space<semaphore_mem>>
        %dma_start3A_30 = arith.constant 0 : i32
        %dma_start3A_31 = tpu.memref_slice %arg8[%scan3A_19, %dma_start3A_30] : memref<126x80xi32, #tpu.memory_space<vmem>> -> memref<1x80xi32, #tpu.memory_space<vmem>>
        %dma_start3A_32 = tpu.memref_squeeze %dma_start3A_31 : memref<1x80xi32, #tpu.memory_space<vmem>> -> memref<80xi32, #tpu.memory_space<vmem>>
        %dma_start3A_33 = arith.constant 0 : i32
        %dma_start3A_34 = arith.constant 0 : i32
        %dma_start3A_35 = tpu.memref_slice %arg11[%dma_start3A_33, %dma_start3A_34] : memref<10240x128xf32, #tpu.memory_space<vmem_shared>> -> memref<10240x128xf32, #tpu.memory_space<vmem_shared>>
        tpu.enqueue_indirect_dma source(%arg9 : memref<80x128xf32, #tpu.memory_space<vmem>>) target(%dma_start3A_35 : memref<10240x128xf32, #tpu.memory_space<vmem_shared>>) offsets(%dma_start3A_32 : memref<80xi32, #tpu.memory_space<vmem>>) semaphore(%run_scoped3A : memref<!tpu.dma_semaphore, #tpu.memory_space<semaphore_mem>>) {add = true}
        %dma_wait3A_36 = arith.constant 0 : i32
        %dma_wait3A_37 = tpu.memref_slice %arg8[%scan3A_19, %dma_wait3A_36] : memref<126x80xi32, #tpu.memory_space<vmem>> -> memref<1x80xi32, #tpu.memory_space<vmem>>
        %dma_wait3A_38 = tpu.memref_squeeze %dma_wait3A_37 : memref<1x80xi32, #tpu.memory_space<vmem>> -> memref<80xi32, #tpu.memory_space<vmem>>
        %dma_wait3A_39 = arith.constant 0 : i32
        %dma_wait3A_40 = arith.constant 0 : i32
        %dma_wait3A_41 = tpu.memref_slice %arg11[%dma_wait3A_39, %dma_wait3A_40] : memref<10240x128xf32, #tpu.memory_space<vmem_shared>> -> memref<10240x128xf32, #tpu.memory_space<vmem_shared>>
        tpu.wait_indirect_dma semaphore(%run_scoped3A : memref<!tpu.dma_semaphore, #tpu.memory_space<semaphore_mem>>) src(%arg9 : memref<80x128xf32, #tpu.memory_space<vmem>>) dst(%dma_wait3A_41 : memref<10240x128xf32, #tpu.memory_space<vmem_shared>>)
        tpu.yield
      }) : () -> ()
    }
    %scan3A_12 = arith.constant 126 : i32
    %barrier3A_13 = arith.constant 0 : index
    tpu.barrier barrier_id(%barrier3A_13)
    %barrier3A_14 = arith.constant 0 : index
    tpu.barrier barrier_id(%barrier3A_14)
    %mul3A_15 = arith.constant 640 : i32
    %mul3A_16 = arith.muli %arg1, %mul3A_15 : i32
    %mul3A_17 = arith.constant 640 : i32
    %mul3A_18 = arith.muli %arg1, %mul3A_17 : i32
    "tpu.region"() ({
      %run_scoped3A = tpu.sem_alloc : memref<!tpu.dma_semaphore, #tpu.memory_space<semaphore_mem>>
      %dma_start3A = arith.constant 0 : i32
      %dma_start3A_19 = tpu.memref_slice %arg6[%arg0, %mul3A_18, %dma_start3A] : memref<2x10240x128xf32, #tpu.memory_space<hbm>> -> memref<1x640x128xf32, #tpu.memory_space<hbm>>
      %dma_start3A_20 = tpu.memref_squeeze %dma_start3A_19 : memref<1x640x128xf32, #tpu.memory_space<hbm>> -> memref<640x128xf32, #tpu.memory_space<hbm>>
      %dma_start3A_21 = arith.constant 0 : i32
      %dma_start3A_22 = tpu.memref_slice %arg11[%mul3A_16, %dma_start3A_21] : memref<10240x128xf32, #tpu.memory_space<vmem_shared>> -> memref<640x128xf32, #tpu.memory_space<vmem_shared>>
      tpu.enqueue_dma source(%dma_start3A_22 : memref<640x128xf32, #tpu.memory_space<vmem_shared>>) target(%dma_start3A_20 : memref<640x128xf32, #tpu.memory_space<hbm>>) target_semaphore(%run_scoped3A : memref<!tpu.dma_semaphore, #tpu.memory_space<semaphore_mem>>)
      %dma_wait3A = arith.constant 0 : i32
      %dma_wait3A_23 = tpu.memref_slice %arg6[%arg0, %mul3A_18, %dma_wait3A] : memref<2x10240x128xf32, #tpu.memory_space<hbm>> -> memref<1x640x128xf32, #tpu.memory_space<hbm>>
      %dma_wait3A_24 = tpu.memref_squeeze %dma_wait3A_23 : memref<1x640x128xf32, #tpu.memory_space<hbm>> -> memref<640x128xf32, #tpu.memory_space<hbm>>
      %dma_wait3A_25 = arith.constant 0 : i32
      %dma_wait3A_26 = tpu.memref_slice %arg11[%mul3A_16, %dma_wait3A_25] : memref<10240x128xf32, #tpu.memory_space<vmem_shared>> -> memref<640x128xf32, #tpu.memory_space<vmem_shared>>
      tpu.wait_dma2 semaphore(%run_scoped3A : memref<!tpu.dma_semaphore, #tpu.memory_space<semaphore_mem>>) src(%dma_wait3A_26 : memref<640x128xf32, #tpu.memory_space<vmem_shared>>) dst(%dma_wait3A_24 : memref<640x128xf32, #tpu.memory_space<hbm>>)
      tpu.yield
    }) : () -> ()
    return
  }
}

#map = affine_map<(d0, d1) -> (0, 0)>
#map1 = affine_map<(d0, d1) -> (0, 0, 0)>
module attributes {stable_mosaic.version = 14 : i64} {
  func.func @_agg_body(%arg0: i32, %arg1: i32, %arg2: memref<10240x128xf32, #tpu.memory_space<hbm>>, %arg3: memref<32x126x80xi32, #tpu.memory_space<hbm>>, %arg4: memref<32x126x80xi32, #tpu.memory_space<hbm>>, %arg5: memref<16x128xf32, #tpu.memory_space<hbm>>, %arg6: memref<2x10240x128xf32, #tpu.memory_space<hbm>>, %arg7: memref<126x80xi32, #tpu.memory_space<vmem>>, %arg8: memref<126x80xi32, #tpu.memory_space<vmem>>, %arg9: memref<80x128xf32, #tpu.memory_space<vmem>>, %arg10: memref<16x128xf32, #tpu.memory_space<vmem>>, %arg11: memref<10240x128xf32, #tpu.memory_space<vmem_shared>>, %arg12: memref<!tpu.dma_semaphore, #tpu.memory_space<semaphore_mem>>) attributes {dimension_semantics = [#tpu.dimension_semantics<core_parallel>, #tpu.dimension_semantics<subcore_parallel>], iteration_bounds = array<i64: 2, 16>, scalar_prefetch = 0 : i64, scratch_operands = 6 : i64, tpu.core_type = #tpu.core_type<sc_vector_subcore>, window_params = [{transform_indices = #map}, {transform_indices = #map1}, {transform_indices = #map1}, {transform_indices = #map}, {transform_indices = #map1}]} {
    %mul3A = arith.constant 16 : i32
    %mul3A_0 = arith.muli %arg0, %mul3A : i32
    %add3A = arith.addi %mul3A_0, %arg1 : i32
    "tpu.region"() ({
      %run_scoped3A = tpu.sem_alloc : memref<!tpu.dma_semaphore, #tpu.memory_space<semaphore_mem>>
      tpu.enqueue_dma source(%arg5 : memref<16x128xf32, #tpu.memory_space<hbm>>) target(%arg10 : memref<16x128xf32, #tpu.memory_space<vmem>>) target_semaphore(%run_scoped3A : memref<!tpu.dma_semaphore, #tpu.memory_space<semaphore_mem>>)
      tpu.wait_dma2 semaphore(%run_scoped3A : memref<!tpu.dma_semaphore, #tpu.memory_space<semaphore_mem>>) src(%arg5 : memref<16x128xf32, #tpu.memory_space<hbm>>) dst(%arg10 : memref<16x128xf32, #tpu.memory_space<vmem>>)
      tpu.yield
    }) : () -> ()
    %scan3A = arith.constant 0 : i32
    %scan3A_1 = arith.constant 0 : i32
    %scan3A_2 = arith.constant 40 : i32
    %scan3A_3 = arith.addi %scan3A_1, %scan3A_2 : i32
    %scan3A_4 = arith.constant 1 : i32
    scf.for %scan3A_19 = %scan3A_1 to %scan3A_3 step %scan3A_4  : i32 {
      %mul3A_20 = arith.constant 640 : i32
      %mul3A_21 = arith.muli %arg1, %mul3A_20 : i32
      %mul3A_22 = arith.constant 16 : i32
      %mul3A_23 = arith.muli %scan3A_19, %mul3A_22 : i32
      %add3A_24 = arith.addi %mul3A_21, %mul3A_23 : i32
      "tpu.region"() ({
        %run_scoped3A = tpu.sem_alloc : memref<!tpu.dma_semaphore, #tpu.memory_space<semaphore_mem>>
        %dma_start3A = arith.constant 0 : i32
        %dma_start3A_25 = tpu.memref_slice %arg11[%add3A_24, %dma_start3A] : memref<10240x128xf32, #tpu.memory_space<vmem_shared>> -> memref<16x128xf32, #tpu.memory_space<vmem_shared>>
        %dma_start3A_26 = arith.constant 0 : i32
        %dma_start3A_27 = tpu.memref_slice %arg11[%add3A_24, %dma_start3A_26] : memref<10240x128xf32, #tpu.memory_space<vmem_shared>> -> memref<16x128xf32, #tpu.memory_space<vmem_shared>>
        tpu.enqueue_dma source(%arg10 : memref<16x128xf32, #tpu.memory_space<vmem>>) target(%dma_start3A_27 : memref<16x128xf32, #tpu.memory_space<vmem_shared>>) target_semaphore(%run_scoped3A : memref<!tpu.dma_semaphore, #tpu.memory_space<semaphore_mem>>)
        %dma_wait3A = arith.constant 0 : i32
        %dma_wait3A_28 = tpu.memref_slice %arg11[%add3A_24, %dma_wait3A] : memref<10240x128xf32, #tpu.memory_space<vmem_shared>> -> memref<16x128xf32, #tpu.memory_space<vmem_shared>>
        %dma_wait3A_29 = arith.constant 0 : i32
        %dma_wait3A_30 = tpu.memref_slice %arg11[%add3A_24, %dma_wait3A_29] : memref<10240x128xf32, #tpu.memory_space<vmem_shared>> -> memref<16x128xf32, #tpu.memory_space<vmem_shared>>
        tpu.wait_dma2 semaphore(%run_scoped3A : memref<!tpu.dma_semaphore, #tpu.memory_space<semaphore_mem>>) src(%arg10 : memref<16x128xf32, #tpu.memory_space<vmem>>) dst(%dma_wait3A_30 : memref<16x128xf32, #tpu.memory_space<vmem_shared>>)
        tpu.yield
      }) : () -> ()
    }
    %scan3A_5 = arith.constant 40 : i32
    %barrier3A = arith.constant 0 : index
    tpu.barrier barrier_id(%barrier3A)
    %barrier3A_6 = arith.constant 0 : index
    tpu.barrier barrier_id(%barrier3A_6)
    "tpu.region"() ({
      %run_scoped3A = tpu.sem_alloc : memref<!tpu.dma_semaphore, #tpu.memory_space<semaphore_mem>>
      %dma_start3A = arith.constant 0 : i32
      %dma_start3A_19 = arith.constant 0 : i32
      %dma_start3A_20 = tpu.memref_slice %arg3[%add3A, %dma_start3A, %dma_start3A_19] : memref<32x126x80xi32, #tpu.memory_space<hbm>> -> memref<1x126x80xi32, #tpu.memory_space<hbm>>
      %dma_start3A_21 = tpu.memref_squeeze %dma_start3A_20 : memref<1x126x80xi32, #tpu.memory_space<hbm>> -> memref<126x80xi32, #tpu.memory_space<hbm>>
      %dma_start3A_22 = arith.constant 0 : i32
      %dma_start3A_23 = arith.constant 0 : i32
      %dma_start3A_24 = tpu.memref_slice %arg3[%add3A, %dma_start3A_22, %dma_start3A_23] : memref<32x126x80xi32, #tpu.memory_space<hbm>> -> memref<1x126x80xi32, #tpu.memory_space<hbm>>
      %dma_start3A_25 = tpu.memref_squeeze %dma_start3A_24 : memref<1x126x80xi32, #tpu.memory_space<hbm>> -> memref<126x80xi32, #tpu.memory_space<hbm>>
      tpu.enqueue_dma source(%dma_start3A_25 : memref<126x80xi32, #tpu.memory_space<hbm>>) target(%arg7 : memref<126x80xi32, #tpu.memory_space<vmem>>) target_semaphore(%run_scoped3A : memref<!tpu.dma_semaphore, #tpu.memory_space<semaphore_mem>>)
      %dma_wait3A = arith.constant 0 : i32
      %dma_wait3A_26 = arith.constant 0 : i32
      %dma_wait3A_27 = tpu.memref_slice %arg3[%add3A, %dma_wait3A, %dma_wait3A_26] : memref<32x126x80xi32, #tpu.memory_space<hbm>> -> memref<1x126x80xi32, #tpu.memory_space<hbm>>
      %dma_wait3A_28 = tpu.memref_squeeze %dma_wait3A_27 : memref<1x126x80xi32, #tpu.memory_space<hbm>> -> memref<126x80xi32, #tpu.memory_space<hbm>>
      %dma_wait3A_29 = arith.constant 0 : i32
      %dma_wait3A_30 = arith.constant 0 : i32
      %dma_wait3A_31 = tpu.memref_slice %arg3[%add3A, %dma_wait3A_29, %dma_wait3A_30] : memref<32x126x80xi32, #tpu.memory_space<hbm>> -> memref<1x126x80xi32, #tpu.memory_space<hbm>>
      %dma_wait3A_32 = tpu.memref_squeeze %dma_wait3A_31 : memref<1x126x80xi32, #tpu.memory_space<hbm>> -> memref<126x80xi32, #tpu.memory_space<hbm>>
      tpu.wait_dma2 semaphore(%run_scoped3A : memref<!tpu.dma_semaphore, #tpu.memory_space<semaphore_mem>>) src(%dma_wait3A_32 : memref<126x80xi32, #tpu.memory_space<hbm>>) dst(%arg7 : memref<126x80xi32, #tpu.memory_space<vmem>>)
      tpu.yield
    }) : () -> ()
    "tpu.region"() ({
      %run_scoped3A = tpu.sem_alloc : memref<!tpu.dma_semaphore, #tpu.memory_space<semaphore_mem>>
      %dma_start3A = arith.constant 0 : i32
      %dma_start3A_19 = arith.constant 0 : i32
      %dma_start3A_20 = tpu.memref_slice %arg4[%add3A, %dma_start3A, %dma_start3A_19] : memref<32x126x80xi32, #tpu.memory_space<hbm>> -> memref<1x126x80xi32, #tpu.memory_space<hbm>>
      %dma_start3A_21 = tpu.memref_squeeze %dma_start3A_20 : memref<1x126x80xi32, #tpu.memory_space<hbm>> -> memref<126x80xi32, #tpu.memory_space<hbm>>
      %dma_start3A_22 = arith.constant 0 : i32
      %dma_start3A_23 = arith.constant 0 : i32
      %dma_start3A_24 = tpu.memref_slice %arg4[%add3A, %dma_start3A_22, %dma_start3A_23] : memref<32x126x80xi32, #tpu.memory_space<hbm>> -> memref<1x126x80xi32, #tpu.memory_space<hbm>>
      %dma_start3A_25 = tpu.memref_squeeze %dma_start3A_24 : memref<1x126x80xi32, #tpu.memory_space<hbm>> -> memref<126x80xi32, #tpu.memory_space<hbm>>
      tpu.enqueue_dma source(%dma_start3A_25 : memref<126x80xi32, #tpu.memory_space<hbm>>) target(%arg8 : memref<126x80xi32, #tpu.memory_space<vmem>>) target_semaphore(%run_scoped3A : memref<!tpu.dma_semaphore, #tpu.memory_space<semaphore_mem>>)
      %dma_wait3A = arith.constant 0 : i32
      %dma_wait3A_26 = arith.constant 0 : i32
      %dma_wait3A_27 = tpu.memref_slice %arg4[%add3A, %dma_wait3A, %dma_wait3A_26] : memref<32x126x80xi32, #tpu.memory_space<hbm>> -> memref<1x126x80xi32, #tpu.memory_space<hbm>>
      %dma_wait3A_28 = tpu.memref_squeeze %dma_wait3A_27 : memref<1x126x80xi32, #tpu.memory_space<hbm>> -> memref<126x80xi32, #tpu.memory_space<hbm>>
      %dma_wait3A_29 = arith.constant 0 : i32
      %dma_wait3A_30 = arith.constant 0 : i32
      %dma_wait3A_31 = tpu.memref_slice %arg4[%add3A, %dma_wait3A_29, %dma_wait3A_30] : memref<32x126x80xi32, #tpu.memory_space<hbm>> -> memref<1x126x80xi32, #tpu.memory_space<hbm>>
      %dma_wait3A_32 = tpu.memref_squeeze %dma_wait3A_31 : memref<1x126x80xi32, #tpu.memory_space<hbm>> -> memref<126x80xi32, #tpu.memory_space<hbm>>
      tpu.wait_dma2 semaphore(%run_scoped3A : memref<!tpu.dma_semaphore, #tpu.memory_space<semaphore_mem>>) src(%dma_wait3A_32 : memref<126x80xi32, #tpu.memory_space<hbm>>) dst(%arg8 : memref<126x80xi32, #tpu.memory_space<vmem>>)
      tpu.yield
    }) : () -> ()
    %scan3A_7 = arith.constant 0 : i32
    %scan3A_8 = arith.constant 0 : i32
    %scan3A_9 = arith.constant 126 : i32
    %scan3A_10 = arith.addi %scan3A_8, %scan3A_9 : i32
    %scan3A_11 = arith.constant 1 : i32
    scf.for %scan3A_19 = %scan3A_8 to %scan3A_10 step %scan3A_11  : i32 {
      %dma_start3A = arith.constant 0 : i32
      %dma_start3A_20 = tpu.memref_slice %arg7[%scan3A_19, %dma_start3A] : memref<126x80xi32, #tpu.memory_space<vmem>> -> memref<1x80xi32, #tpu.memory_space<vmem>>
      %dma_start3A_21 = tpu.memref_squeeze %dma_start3A_20 : memref<1x80xi32, #tpu.memory_space<vmem>> -> memref<80xi32, #tpu.memory_space<vmem>>
      %dma_start3A_22 = arith.constant 0 : i32
      %dma_start3A_23 = arith.constant 0 : i32
      %dma_start3A_24 = tpu.memref_slice %arg2[%dma_start3A_22, %dma_start3A_23] : memref<10240x128xf32, #tpu.memory_space<hbm>> -> memref<10240x128xf32, #tpu.memory_space<hbm>>
      tpu.enqueue_indirect_dma source(%dma_start3A_24 : memref<10240x128xf32, #tpu.memory_space<hbm>>) target(%arg9 : memref<80x128xf32, #tpu.memory_space<vmem>>) offsets(%dma_start3A_21 : memref<80xi32, #tpu.memory_space<vmem>>) semaphore(%arg12 : memref<!tpu.dma_semaphore, #tpu.memory_space<semaphore_mem>>)
      %dma_wait3A = arith.constant 0 : i32
      %dma_wait3A_25 = tpu.memref_slice %arg7[%scan3A_19, %dma_wait3A] : memref<126x80xi32, #tpu.memory_space<vmem>> -> memref<1x80xi32, #tpu.memory_space<vmem>>
      %dma_wait3A_26 = tpu.memref_squeeze %dma_wait3A_25 : memref<1x80xi32, #tpu.memory_space<vmem>> -> memref<80xi32, #tpu.memory_space<vmem>>
      %dma_wait3A_27 = arith.constant 0 : i32
      %dma_wait3A_28 = arith.constant 0 : i32
      %dma_wait3A_29 = tpu.memref_slice %arg2[%dma_wait3A_27, %dma_wait3A_28] : memref<10240x128xf32, #tpu.memory_space<hbm>> -> memref<10240x128xf32, #tpu.memory_space<hbm>>
      tpu.wait_indirect_dma semaphore(%arg12 : memref<!tpu.dma_semaphore, #tpu.memory_space<semaphore_mem>>) src(%dma_wait3A_29 : memref<10240x128xf32, #tpu.memory_space<hbm>>) dst(%arg9 : memref<80x128xf32, #tpu.memory_space<vmem>>)
      "tpu.region"() ({
        %run_scoped3A = tpu.sem_alloc : memref<!tpu.dma_semaphore, #tpu.memory_space<semaphore_mem>>
        %dma_start3A_30 = arith.constant 0 : i32
        %dma_start3A_31 = tpu.memref_slice %arg8[%scan3A_19, %dma_start3A_30] : memref<126x80xi32, #tpu.memory_space<vmem>> -> memref<1x80xi32, #tpu.memory_space<vmem>>
        %dma_start3A_32 = tpu.memref_squeeze %dma_start3A_31 : memref<1x80xi32, #tpu.memory_space<vmem>> -> memref<80xi32, #tpu.memory_space<vmem>>
        %dma_start3A_33 = arith.constant 0 : i32
        %dma_start3A_34 = arith.constant 0 : i32
        %dma_start3A_35 = tpu.memref_slice %arg11[%dma_start3A_33, %dma_start3A_34] : memref<10240x128xf32, #tpu.memory_space<vmem_shared>> -> memref<10240x128xf32, #tpu.memory_space<vmem_shared>>
        tpu.enqueue_indirect_dma source(%arg9 : memref<80x128xf32, #tpu.memory_space<vmem>>) target(%dma_start3A_35 : memref<10240x128xf32, #tpu.memory_space<vmem_shared>>) offsets(%dma_start3A_32 : memref<80xi32, #tpu.memory_space<vmem>>) semaphore(%run_scoped3A : memref<!tpu.dma_semaphore, #tpu.memory_space<semaphore_mem>>) {add = true}
        %dma_wait3A_36 = arith.constant 0 : i32
        %dma_wait3A_37 = tpu.memref_slice %arg8[%scan3A_19, %dma_wait3A_36] : memref<126x80xi32, #tpu.memory_space<vmem>> -> memref<1x80xi32, #tpu.memory_space<vmem>>
        %dma_wait3A_38 = tpu.memref_squeeze %dma_wait3A_37 : memref<1x80xi32, #tpu.memory_space<vmem>> -> memref<80xi32, #tpu.memory_space<vmem>>
        %dma_wait3A_39 = arith.constant 0 : i32
        %dma_wait3A_40 = arith.constant 0 : i32
        %dma_wait3A_41 = tpu.memref_slice %arg11[%dma_wait3A_39, %dma_wait3A_40] : memref<10240x128xf32, #tpu.memory_space<vmem_shared>> -> memref<10240x128xf32, #tpu.memory_space<vmem_shared>>
        tpu.wait_indirect_dma semaphore(%run_scoped3A : memref<!tpu.dma_semaphore, #tpu.memory_space<semaphore_mem>>) src(%arg9 : memref<80x128xf32, #tpu.memory_space<vmem>>) dst(%dma_wait3A_41 : memref<10240x128xf32, #tpu.memory_space<vmem_shared>>)
        tpu.yield
      }) : () -> ()
    }
    %scan3A_12 = arith.constant 126 : i32
    %barrier3A_13 = arith.constant 0 : index
    tpu.barrier barrier_id(%barrier3A_13)
    %barrier3A_14 = arith.constant 0 : index
    tpu.barrier barrier_id(%barrier3A_14)
    %mul3A_15 = arith.constant 640 : i32
    %mul3A_16 = arith.muli %arg1, %mul3A_15 : i32
    %mul3A_17 = arith.constant 640 : i32
    %mul3A_18 = arith.muli %arg1, %mul3A_17 : i32
    "tpu.region"() ({
      %run_scoped3A = tpu.sem_alloc : memref<!tpu.dma_semaphore, #tpu.memory_space<semaphore_mem>>
      %dma_start3A = arith.constant 0 : i32
      %dma_start3A_19 = tpu.memref_slice %arg6[%arg0, %mul3A_18, %dma_start3A] : memref<2x10240x128xf32, #tpu.memory_space<hbm>> -> memref<1x640x128xf32, #tpu.memory_space<hbm>>
      %dma_start3A_20 = tpu.memref_squeeze %dma_start3A_19 : memref<1x640x128xf32, #tpu.memory_space<hbm>> -> memref<640x128xf32, #tpu.memory_space<hbm>>
      %dma_start3A_21 = arith.constant 0 : i32
      %dma_start3A_22 = tpu.memref_slice %arg11[%mul3A_16, %dma_start3A_21] : memref<10240x128xf32, #tpu.memory_space<vmem_shared>> -> memref<640x128xf32, #tpu.memory_space<vmem_shared>>
      tpu.enqueue_dma source(%dma_start3A_22 : memref<640x128xf32, #tpu.memory_space<vmem_shared>>) target(%dma_start3A_20 : memref<640x128xf32, #tpu.memory_space<hbm>>) target_semaphore(%run_scoped3A : memref<!tpu.dma_semaphore, #tpu.memory_space<semaphore_mem>>)
      %dma_wait3A = arith.constant 0 : i32
      %dma_wait3A_23 = tpu.memref_slice %arg6[%arg0, %mul3A_18, %dma_wait3A] : memref<2x10240x128xf32, #tpu.memory_space<hbm>> -> memref<1x640x128xf32, #tpu.memory_space<hbm>>
      %dma_wait3A_24 = tpu.memref_squeeze %dma_wait3A_23 : memref<1x640x128xf32, #tpu.memory_space<hbm>> -> memref<640x128xf32, #tpu.memory_space<hbm>>
      %dma_wait3A_25 = arith.constant 0 : i32
      %dma_wait3A_26 = tpu.memref_slice %arg11[%mul3A_16, %dma_wait3A_25] : memref<10240x128xf32, #tpu.memory_space<vmem_shared>> -> memref<640x128xf32, #tpu.memory_space<vmem_shared>>
      tpu.wait_dma2 semaphore(%run_scoped3A : memref<!tpu.dma_semaphore, #tpu.memory_space<semaphore_mem>>) src(%dma_wait3A_26 : memref<640x128xf32, #tpu.memory_space<vmem_shared>>) dst(%dma_wait3A_24 : memref<640x128xf32, #tpu.memory_space<hbm>>)
      tpu.yield
    }) : () -> ()
    return
  }
}

module attributes {stable_mosaic.version = 14 : i64} {
  func.func @_combine_body(%arg0: i32, %arg1: memref<256x128xf32, #tpu.memory_space<vmem>>, %arg2: memref<256x128xf32, #tpu.memory_space<vmem>>, %arg3: memref<256x128xf32, #tpu.memory_space<vmem>>, %arg4: memref<256x128xf32, #tpu.memory_space<vmem>>, %arg5: memref<256x128xf32, #tpu.memory_space<vmem>>, %arg6: memref<128x128xf32, #tpu.memory_space<vmem>>, %arg7: memref<1x128xf32, #tpu.memory_space<vmem>>, %arg8: memref<128x128xf32, #tpu.memory_space<vmem>>, %arg9: memref<256x128xf32, #tpu.memory_space<vmem>>) attributes {dimension_semantics = [#tpu.dimension_semantics<arbitrary>], iteration_bounds = array<i64: 40>, scalar_prefetch = 0 : i64, scratch_operands = 0 : i64, tpu.core_type = #tpu.core_type<tc>, window_params = [{transform_indices = @transform_0, window_bounds = array<i64: 256, 128>}, {transform_indices = @transform_1, window_bounds = array<i64: 256, 128>}, {transform_indices = @transform_2, window_bounds = array<i64: 256, 128>}, {transform_indices = @transform_3, window_bounds = array<i64: 256, 128>}, {transform_indices = @transform_4, window_bounds = array<i64: 256, 128>}, {pipeline_mode = #tpu.pipeline_mode<synchronous>, transform_indices = @transform_5, window_bounds = array<i64: 128, 128>}, {pipeline_mode = #tpu.pipeline_mode<synchronous>, transform_indices = @transform_6, window_bounds = array<i64: 1, 128>}, {pipeline_mode = #tpu.pipeline_mode<synchronous>, transform_indices = @transform_7, window_bounds = array<i64: 128, 128>}, {transform_indices = @transform_8, window_bounds = array<i64: 256, 128>}]} {
    %get3A = arith.constant 0 : index
    %get3A_0 = arith.constant 0 : index
    %get3A_1 = vector.load %arg3[%get3A, %get3A_0] : memref<256x128xf32, #tpu.memory_space<vmem>>, vector<256x1xf32>
    %get3A_2 = arith.constant 0 : index
    %get3A_3 = arith.constant 0 : index
    %get3A_4 = vector.load %arg4[%get3A_2, %get3A_3] : memref<256x128xf32, #tpu.memory_space<vmem>>, vector<256x1xf32>
    %add3A = arith.addf %get3A_1, %get3A_4 : vector<256x1xf32>
    %max3A = arith.constant 1.000000e+00 : f32
    %max3A_5 = vector.broadcast %max3A : f32 to vector<256x1xf32>
    %max3A_6 = arith.maximumf %add3A, %max3A_5 : vector<256x1xf32>
    %get3A_7 = arith.constant 0 : index
    %get3A_8 = arith.constant 0 : index
    %get3A_9 = vector.load %arg1[%get3A_7, %get3A_8] : memref<256x128xf32, #tpu.memory_space<vmem>>, vector<256x128xf32>
    %get3A_10 = arith.constant 0 : index
    %get3A_11 = arith.constant 0 : index
    %get3A_12 = vector.load %arg2[%get3A_10, %get3A_11] : memref<256x128xf32, #tpu.memory_space<vmem>>, vector<256x128xf32>
    %add3A_13 = arith.addf %get3A_9, %get3A_12 : vector<256x128xf32>
    %div3A = vector.broadcast %max3A_6 : vector<256x1xf32> to vector<256x128xf32>
    %div3A_14 = arith.divf %add3A_13, %div3A : vector<256x128xf32>
    %get3A_15 = arith.constant 0 : index
    %get3A_16 = arith.constant 0 : index
    %get3A_17 = vector.load %arg6[%get3A_15, %get3A_16] : memref<128x128xf32, #tpu.memory_space<vmem>>, vector<128x128xf32>
    %dot_general3A = arith.constant dense<0.000000e+00> : vector<256x128xf32>
    %dot_general3A_18 = tpu.matmul %div3A_14, %get3A_17, %dot_general3A {dimension_numbers = #tpu.dot_dimension_numbers<[1], [0], [0], [1], [0, 0, 1, 1], [], []>, transpose_lhs_hint = false} : vector<256x128xf32>, vector<128x128xf32>, vector<256x128xf32> -> vector<256x128xf32>
    %get3A_19 = arith.constant 0 : index
    %get3A_20 = arith.constant 0 : index
    %get3A_21 = vector.load %arg5[%get3A_19, %get3A_20] : memref<256x128xf32, #tpu.memory_space<vmem>>, vector<256x128xf32>
    %get3A_22 = arith.constant 0 : index
    %get3A_23 = arith.constant 0 : index
    %get3A_24 = vector.load %arg8[%get3A_22, %get3A_23] : memref<128x128xf32, #tpu.memory_space<vmem>>, vector<128x128xf32>
    %dot_general3A_25 = arith.constant dense<0.000000e+00> : vector<256x128xf32>
    %dot_general3A_26 = tpu.matmul %get3A_21, %get3A_24, %dot_general3A_25 {dimension_numbers = #tpu.dot_dimension_numbers<[1], [0], [0], [1], [0, 0, 1, 1], [], []>, transpose_lhs_hint = false} : vector<256x128xf32>, vector<128x128xf32>, vector<256x128xf32> -> vector<256x128xf32>
    %add3A_27 = arith.addf %dot_general3A_18, %dot_general3A_26 : vector<256x128xf32>
    %get3A_28 = arith.constant 0 : index
    %get3A_29 = arith.constant 0 : index
    %get3A_30 = vector.load %arg7[%get3A_28, %get3A_29] : memref<1x128xf32, #tpu.memory_space<vmem>>, vector<1x128xf32>
    %add3A_31 = vector.broadcast %get3A_30 : vector<1x128xf32> to vector<256x128xf32>
    %add3A_32 = arith.addf %add3A_27, %add3A_31 : vector<256x128xf32>
    %max3A_33 = arith.constant 0.000000e+00 : f32
    %max3A_34 = vector.broadcast %max3A_33 : f32 to vector<256x128xf32>
    %max3A_35 = arith.maximumf %add3A_32, %max3A_34 : vector<256x128xf32>
    %swap3A = arith.constant 0 : index
    %swap3A_36 = arith.constant 0 : index
    %swap3A_37 = vector.load %arg9[%swap3A, %swap3A_36] : memref<256x128xf32, #tpu.memory_space<vmem>>, vector<256x128xf32>
    tpu.vector_store %arg9[%swap3A, %swap3A_36], %max3A_35 {strides = array<i32>} : memref<256x128xf32, #tpu.memory_space<vmem>>, vector<256x128xf32>,
    return
  }
  func.func @transform_0(%arg0: i32) -> (i32, i32) {
    %c0_i32 = arith.constant 0 : i32
    %c0_i32_0 = arith.constant 0 : i32
    return %arg0, %c0_i32 : i32, i32
  }
  func.func @transform_1(%arg0: i32) -> (i32, i32) {
    %c0_i32 = arith.constant 0 : i32
    %c0_i32_0 = arith.constant 0 : i32
    return %arg0, %c0_i32 : i32, i32
  }
  func.func @transform_2(%arg0: i32) -> (i32, i32) {
    %c0_i32 = arith.constant 0 : i32
    %c0_i32_0 = arith.constant 0 : i32
    return %arg0, %c0_i32 : i32, i32
  }
  func.func @transform_3(%arg0: i32) -> (i32, i32) {
    %c0_i32 = arith.constant 0 : i32
    %c0_i32_0 = arith.constant 0 : i32
    return %arg0, %c0_i32 : i32, i32
  }
  func.func @transform_4(%arg0: i32) -> (i32, i32) {
    %c0_i32 = arith.constant 0 : i32
    %c0_i32_0 = arith.constant 0 : i32
    return %arg0, %c0_i32 : i32, i32
  }
  func.func @transform_5(%arg0: i32) -> (i32, i32) {
    %c0_i32 = arith.constant 0 : i32
    %c0_i32_0 = arith.constant 0 : i32
    %c0_i32_1 = arith.constant 0 : i32
    return %c0_i32, %c0_i32_0 : i32, i32
  }
  func.func @transform_6(%arg0: i32) -> (i32, i32) {
    %c0_i32 = arith.constant 0 : i32
    %c0_i32_0 = arith.constant 0 : i32
    %c0_i32_1 = arith.constant 0 : i32
    return %c0_i32, %c0_i32_0 : i32, i32
  }
  func.func @transform_7(%arg0: i32) -> (i32, i32) {
    %c0_i32 = arith.constant 0 : i32
    %c0_i32_0 = arith.constant 0 : i32
    %c0_i32_1 = arith.constant 0 : i32
    return %c0_i32, %c0_i32_0 : i32, i32
  }
  func.func @transform_8(%arg0: i32) -> (i32, i32) {
    %c0_i32 = arith.constant 0 : i32
    %c0_i32_0 = arith.constant 0 : i32
    return %arg0, %c0_i32 : i32, i32
  }
}

module attributes {stable_mosaic.version = 14 : i64} {
  func.func @_combine_body(%arg0: i32, %arg1: memref<256x128xf32, #tpu.memory_space<vmem>>, %arg2: memref<256x128xf32, #tpu.memory_space<vmem>>, %arg3: memref<256x128xf32, #tpu.memory_space<vmem>>, %arg4: memref<256x128xf32, #tpu.memory_space<vmem>>, %arg5: memref<256x128xf32, #tpu.memory_space<vmem>>, %arg6: memref<128x128xf32, #tpu.memory_space<vmem>>, %arg7: memref<1x128xf32, #tpu.memory_space<vmem>>, %arg8: memref<128x128xf32, #tpu.memory_space<vmem>>, %arg9: memref<256x128xf32, #tpu.memory_space<vmem>>) attributes {dimension_semantics = [#tpu.dimension_semantics<arbitrary>], iteration_bounds = array<i64: 40>, scalar_prefetch = 0 : i64, scratch_operands = 0 : i64, tpu.core_type = #tpu.core_type<tc>, window_params = [{transform_indices = @transform_0, window_bounds = array<i64: 256, 128>}, {transform_indices = @transform_1, window_bounds = array<i64: 256, 128>}, {transform_indices = @transform_2, window_bounds = array<i64: 256, 128>}, {transform_indices = @transform_3, window_bounds = array<i64: 256, 128>}, {transform_indices = @transform_4, window_bounds = array<i64: 256, 128>}, {pipeline_mode = #tpu.pipeline_mode<synchronous>, transform_indices = @transform_5, window_bounds = array<i64: 128, 128>}, {pipeline_mode = #tpu.pipeline_mode<synchronous>, transform_indices = @transform_6, window_bounds = array<i64: 1, 128>}, {pipeline_mode = #tpu.pipeline_mode<synchronous>, transform_indices = @transform_7, window_bounds = array<i64: 128, 128>}, {transform_indices = @transform_8, window_bounds = array<i64: 256, 128>}]} {
    %get3A = arith.constant 0 : index
    %get3A_0 = arith.constant 0 : index
    %get3A_1 = vector.load %arg3[%get3A, %get3A_0] : memref<256x128xf32, #tpu.memory_space<vmem>>, vector<256x1xf32>
    %get3A_2 = arith.constant 0 : index
    %get3A_3 = arith.constant 0 : index
    %get3A_4 = vector.load %arg4[%get3A_2, %get3A_3] : memref<256x128xf32, #tpu.memory_space<vmem>>, vector<256x1xf32>
    %add3A = arith.addf %get3A_1, %get3A_4 : vector<256x1xf32>
    %max3A = arith.constant 1.000000e+00 : f32
    %max3A_5 = vector.broadcast %max3A : f32 to vector<256x1xf32>
    %max3A_6 = arith.maximumf %add3A, %max3A_5 : vector<256x1xf32>
    %get3A_7 = arith.constant 0 : index
    %get3A_8 = arith.constant 0 : index
    %get3A_9 = vector.load %arg1[%get3A_7, %get3A_8] : memref<256x128xf32, #tpu.memory_space<vmem>>, vector<256x128xf32>
    %get3A_10 = arith.constant 0 : index
    %get3A_11 = arith.constant 0 : index
    %get3A_12 = vector.load %arg2[%get3A_10, %get3A_11] : memref<256x128xf32, #tpu.memory_space<vmem>>, vector<256x128xf32>
    %add3A_13 = arith.addf %get3A_9, %get3A_12 : vector<256x128xf32>
    %div3A = vector.broadcast %max3A_6 : vector<256x1xf32> to vector<256x128xf32>
    %div3A_14 = arith.divf %add3A_13, %div3A : vector<256x128xf32>
    %get3A_15 = arith.constant 0 : index
    %get3A_16 = arith.constant 0 : index
    %get3A_17 = vector.load %arg6[%get3A_15, %get3A_16] : memref<128x128xf32, #tpu.memory_space<vmem>>, vector<128x128xf32>
    %dot_general3A = arith.constant dense<0.000000e+00> : vector<256x128xf32>
    %dot_general3A_18 = tpu.matmul %div3A_14, %get3A_17, %dot_general3A {dimension_numbers = #tpu.dot_dimension_numbers<[1], [0], [0], [1], [0, 0, 1, 1], [], []>, transpose_lhs_hint = false} : vector<256x128xf32>, vector<128x128xf32>, vector<256x128xf32> -> vector<256x128xf32>
    %get3A_19 = arith.constant 0 : index
    %get3A_20 = arith.constant 0 : index
    %get3A_21 = vector.load %arg5[%get3A_19, %get3A_20] : memref<256x128xf32, #tpu.memory_space<vmem>>, vector<256x128xf32>
    %get3A_22 = arith.constant 0 : index
    %get3A_23 = arith.constant 0 : index
    %get3A_24 = vector.load %arg8[%get3A_22, %get3A_23] : memref<128x128xf32, #tpu.memory_space<vmem>>, vector<128x128xf32>
    %dot_general3A_25 = arith.constant dense<0.000000e+00> : vector<256x128xf32>
    %dot_general3A_26 = tpu.matmul %get3A_21, %get3A_24, %dot_general3A_25 {dimension_numbers = #tpu.dot_dimension_numbers<[1], [0], [0], [1], [0, 0, 1, 1], [], []>, transpose_lhs_hint = false} : vector<256x128xf32>, vector<128x128xf32>, vector<256x128xf32> -> vector<256x128xf32>
    %add3A_27 = arith.addf %dot_general3A_18, %dot_general3A_26 : vector<256x128xf32>
    %get3A_28 = arith.constant 0 : index
    %get3A_29 = arith.constant 0 : index
    %get3A_30 = vector.load %arg7[%get3A_28, %get3A_29] : memref<1x128xf32, #tpu.memory_space<vmem>>, vector<1x128xf32>
    %add3A_31 = vector.broadcast %get3A_30 : vector<1x128xf32> to vector<256x128xf32>
    %add3A_32 = arith.addf %add3A_27, %add3A_31 : vector<256x128xf32>
    %swap3A = arith.constant 0 : index
    %swap3A_33 = arith.constant 0 : index
    %swap3A_34 = vector.load %arg9[%swap3A, %swap3A_33] : memref<256x128xf32, #tpu.memory_space<vmem>>, vector<256x128xf32>
    tpu.vector_store %arg9[%swap3A, %swap3A_33], %add3A_32 {strides = array<i32>} : memref<256x128xf32, #tpu.memory_space<vmem>>, vector<256x128xf32>,
    return
  }
  func.func @transform_0(%arg0: i32) -> (i32, i32) {
    %c0_i32 = arith.constant 0 : i32
    %c0_i32_0 = arith.constant 0 : i32
    return %arg0, %c0_i32 : i32, i32
  }
  func.func @transform_1(%arg0: i32) -> (i32, i32) {
    %c0_i32 = arith.constant 0 : i32
    %c0_i32_0 = arith.constant 0 : i32
    return %arg0, %c0_i32 : i32, i32
  }
  func.func @transform_2(%arg0: i32) -> (i32, i32) {
    %c0_i32 = arith.constant 0 : i32
    %c0_i32_0 = arith.constant 0 : i32
    return %arg0, %c0_i32 : i32, i32
  }
  func.func @transform_3(%arg0: i32) -> (i32, i32) {
    %c0_i32 = arith.constant 0 : i32
    %c0_i32_0 = arith.constant 0 : i32
    return %arg0, %c0_i32 : i32, i32
  }
  func.func @transform_4(%arg0: i32) -> (i32, i32) {
    %c0_i32 = arith.constant 0 : i32
    %c0_i32_0 = arith.constant 0 : i32
    return %arg0, %c0_i32 : i32, i32
  }
  func.func @transform_5(%arg0: i32) -> (i32, i32) {
    %c0_i32 = arith.constant 0 : i32
    %c0_i32_0 = arith.constant 0 : i32
    %c0_i32_1 = arith.constant 0 : i32
    return %c0_i32, %c0_i32_0 : i32, i32
  }
  func.func @transform_6(%arg0: i32) -> (i32, i32) {
    %c0_i32 = arith.constant 0 : i32
    %c0_i32_0 = arith.constant 0 : i32
    %c0_i32_1 = arith.constant 0 : i32
    return %c0_i32, %c0_i32_0 : i32, i32
  }
  func.func @transform_7(%arg0: i32) -> (i32, i32) {
    %c0_i32 = arith.constant 0 : i32
    %c0_i32_0 = arith.constant 0 : i32
    %c0_i32_1 = arith.constant 0 : i32
    return %c0_i32, %c0_i32_0 : i32, i32
  }
  func.func @transform_8(%arg0: i32) -> (i32, i32) {
    %c0_i32 = arith.constant 0 : i32
    %c0_i32_0 = arith.constant 0 : i32
    return %arg0, %c0_i32 : i32, i32
  }
}

</mosaic_0001>

<sc_bundles>
// kernel: kernel.12.cloned.1.call-start
scs
__scs_entry_jumppad:
0x0: {  	(pc) =	sbr.rel $0x88, $3  }
0x1: {  	(tag) =	ssettag $0x0;
	lr =	simm.s32 $0x1  }
0x2: {  	[smem:$0x3F96] =	sst lr;
	_ =	strace $0xD0000000  }
0x3: {  	_ = 	snop  }
0x4: {  	_ = 	snop  }
0x5: {  	_ = 	snop  }
0x6: {  	_ = 	snop  }
0x7: {  	_ = 	snop  }
__scs_overlays_trampoline_lowered:
0x8: {  	[smem:$0x3FA5] =	sst s0  }
0x9: {  	[smem:$0x3FA6] =	sst s1  }
0xa: {  	[smem:$0x3FA7] =	sst s2  }
0xb: {  	[smem:$0x3FA8] =	sst s3  }
0xc: {  	[smem:$0x3FA9] =	sst s4  }
0xd: {  	[smem:$0x3FAA] =	sst s5  }
0xe: {  	[smem:$0x3FAB] =	sst s6  }
0xf: {  	[smem:$0x3FAC] =	sst s7  }
0x10: {  	[smem:$0x3FAD] =	sst s8  }
0x11: {  	[smem:$0x3FAE] =	sst s9;
	s0 =	simm.s32 @!p0 $0x0  }
0x12: {  	s1 =	sld [smem:$0x3F94];
	s0 =	simm.s32 @p0 $0x1  }
0x13: {  	[smem:$0x3FAF] =	sst s0;
	s0 =	simm.s32 @!p1 $0x0  }
0x14: {  	s2 =	sld [smem:$0x3F93];
	s0 =	simm.s32 @p1 $0x1  }
0x15: {  	[smem:$0x3FB0] =	sst s0;
	s0 =	simm.s32 @!p2 $0x0  }
0x16: {  	s3 =	sld [smem:$0x3FDB];
	s0 =	simm.s32 @p2 $0x1  }
0x17: {  	s4 =	simm.s32 $0x1BF5;
	[smem:$0x3FB2] =	sst s0  }
0x18: {  	s0 =	sld [smem:$0x3F95];
	_ =	swait.ge [sflag:s4], $0x0  }
0x19: {  	s7 =	sld [smem:$0x3F96]  }
0x1a: {  	s8 =	sadd.s32 $0xFFFFE003, lr  }
0x1b: {  	s9 =	sadd.s32 $0xFFFFFEF7, lr;
	s5 =	simm.s32 $0xFFFFFFFF;
	p2 =	slt.u32 s8, $0xFFFFF086  }
0x1c: {  	p1 =	slt.u32 s9, $0xF7A;
	s5 =	simm.s32 @!p2 $0x0  }
0x1d: {  	s5 =	simm.s32 @p1 $0x1;
	p0 =	seq.s32 s7, s2  }
0x1e: {  	s7 =	smul.u32 @!p0 $0xF7A, s2;
	p2 =	seq.s32 @!p0 s5, $0x0  }
0x1f: {  	s9 =	smul.u32 $0xF7A, s1;
	s8 =	simm.s32 @!p0 $0x1BF5;
	p2 =	por !p2, p0  }
0x20: {  	[sflag:s8] =	ssyncset.s32 @!p0 $0xFFFFF086;
	s6 =	sadd.s32 @!p0 s3, s7;
	s7 =	simm.s32 @!p0 $0x108  }
0x21: {  	s3 =	sadd.s32 s3, s9;
	s6 =	sadd.s32 @!p0 $0x88, s6;
	s7 =	simm.s32 @p2 $0x1082  }
0x22: {  	[simem:s7], [sflag:s8] =	dma.local @!p0 [hbm:s6], $0xF7A  }
0x23: {  	s9 =	sor.u32 $0xD0000000, s2;
	s6 =	simm.s32 $0x108;
	_ =	swait.ge @!p0 [sflag:s8], $0x0  }
0x24: {  	s3 =	sadd.s32 $0x88, s3;
	s6 =	simm.s32 @!p1 $0x1082;
	[sflag:s4] =	ssyncset.s32 $0xFFFFF086  }
0x25: {  	[simem:s6], [sflag:s4] =	dma.local [hbm:s3], $0xF7A  }
0x26: {  	[smem:$0x3F96] =	sst s1;
	(tag) =	ssettag s2;
	_ =	strace s9  }
0x27: {  	s1 =	sld [smem:$0x3FA6]  }
0x28: {  	s2 =	sld [smem:$0x3FA7]  }
0x29: {  	s4 =	sld [smem:$0x3FA9]  }
0x2a: {  	p0 =	seq.s32 s5, $0x0;
	s5 =	sld [smem:$0x3FAA]  }
0x2b: {  	s6 =	sld [smem:$0x3FAB]  }
0x2c: {  	s7 =	sld [smem:$0x3FAC]  }
0x2d: {  	s3 =	simm.s32 $0x108;
	s8 =	sld [smem:$0x3FAD]  }
0x2e: {  	s3 =	simm.s32 @!p0 $0x1082;
	s9 =	sld [smem:$0x3FAE]  }
0x2f: {  	lr =	sadd.s32 s0, s3;
	s0 =	sld [smem:$0x3FA5]  }
0x30: {  	s3 =	sld [smem:$0x3FA8]  }
0x31: {  	[smem:$0x3FB1] =	sst s10  }
0x32: {  	s10 =	sld [smem:$0x3FAF];
	_ =	sdelay $0x3  }
0x33: {  	p0 =	seq.s32 s10, $0x1;
	s10 =	sld [smem:$0x3FB1];
	_ =	sdelay $0x3  }
0x34: {  	[smem:$0x3FB1] =	sst s10  }
0x35: {  	s10 =	sld [smem:$0x3FB0];
	_ =	sdelay $0x3  }
0x36: {  	p1 =	seq.s32 s10, $0x1;
	s10 =	sld [smem:$0x3FB1];
	_ =	sdelay $0x3  }
0x37: {  	[smem:$0x3FB1] =	sst s10  }
0x38: {  	s10 =	sld [smem:$0x3FB2]  }
0x39: {  	_ = 	snop;
	(pc) =	sbr.ind lr, $3  }
0x3a: {  	_ = 	snop  }
0x3b: {  	_ = 	snop  }
0x3c: {  	p2 =	seq.s32 s10, $0x1;
	s10 =	sld [smem:$0x3FB1]  }
0x3d: {  	_ =	shalt  }
0x3e: {  	_ =	shalt  }
0x3f: {  	_ =	shalt  }
0x40: {  	_ =	shalt  }
0x41: {  	_ =	shalt  }
0x42: {  	_ =	shalt  }
0x43: {  	_ =	shalt  }
0x44: {  	_ =	shalt  }
0x45: {  	_ =	shalt  }
0x46: {  	_ =	shalt  }
0x47: {  	_ =	shalt  }
0x48: {  	_ =	shalt  }
0x49: {  	_ =	shalt  }
0x4a: {  	_ =	shalt  }
0x4b: {  	_ =	shalt  }
0x4c: {  	_ =	shalt  }
0x4d: {  	_ =	shalt  }
0x4e: {  	_ =	shalt  }
0x4f: {  	_ =	shalt  }
0x50: {  	_ =	shalt  }
0x51: {  	_ =	shalt  }
0x52: {  	_ =	shalt  }
0x53: {  	_ =	shalt  }
0x54: {  	_ =	shalt  }
0x55: {  	_ =	shalt  }
0x56: {  	_ =	shalt  }
0x57: {  	_ =	shalt  }
0x58: {  	_ =	shalt  }
0x59: {  	_ =	shalt  }
0x5a: {  	_ =	shalt  }
0x5b: {  	_ =	shalt  }
0x5c: {  	_ =	shalt  }
0x5d: {  	_ =	shalt  }
0x5e: {  	_ =	shalt  }
0x5f: {  	_ =	shalt  }
0x60: {  	_ =	shalt  }
0x61: {  	_ =	shalt  }
0x62: {  	_ =	shalt  }
0x63: {  	_ =	shalt  }
0x64: {  	_ =	shalt  }
0x65: {  	_ =	shalt  }
0x66: {  	_ =	shalt  }
0x67: {  	_ =	shalt  }
0x68: {  	_ =	shalt  }
0x69: {  	_ =	shalt  }
0x6a: {  	_ =	shalt  }
0x6b: {  	_ =	shalt  }
0x6c: {  	_ =	shalt  }
0x6d: {  	_ =	shalt  }
0x6e: {  	_ =	shalt  }
0x6f: {  	_ =	shalt  }
0x70: {  	_ =	shalt  }
0x71: {  	_ =	shalt  }
0x72: {  	_ =	shalt  }
0x73: {  	_ =	shalt  }
0x74: {  	_ =	shalt  }
0x75: {  	_ =	shalt  }
0x76: {  	_ =	shalt  }
0x77: {  	_ =	shalt  }
0x78: {  	_ =	shalt  }
0x79: {  	_ =	shalt  }
0x7a: {  	_ =	shalt  }
0x7b: {  	_ =	shalt  }
0x7c: {  	_ =	shalt  }
0x7d: {  	_ =	shalt  }
0x7e: {  	_ =	shalt  }
0x7f: {  	_ =	shalt  }
0x80: {  	_ =	shalt  }
0x81: {  	_ =	shalt  }
0x82: {  	_ =	shalt  }
0x83: {  	_ =	shalt  }
0x84: {  	_ =	shalt  }
0x85: {  	_ =	shalt  }
0x86: {  	_ =	shalt  }
0x87: {  	_ =	shalt  }
.Lfunc_end0:
.L_simem_size_0:
called_computation.1_lowered:
.L_overlay_start_0:
0x88: {  	s2 =	sld [smem:$0x3FD9]  }
0x89: {  	s3 =	sld [smem:$0x3FFE];
	_ =	sdelay $0x1  }
0x8a: {  	s1 =	srdreg.scid  }
0x8b: {  	s0 =	sand.u32 $0x1, s1  }
0x8c: {  	s17 =	sshll.u32 s0, $0xA;
	s2 =	sadd.s32 s3, s2  }
0x8d: {  	s2 =	sadd.s32 s2, s17  }
0x8e: {  	[smem:$0x3FBD] =	sst s2  }
0x8f: {  	_ = 	snop  }
0x90: {  	s2 =	sld [smem:$0x3FD0];
	(tm) =	ssettm $0x1  }
0x91: {  	s18 =	sld [smem:$0x3FFB];
	_ =	sdelay $0x3  }
0x92: {  	_ =	strace s18  }
0x93: {  	s3 =	sld [smem:$0x3FFC];
	_ =	sdelay $0x3  }
0x94: {  	_ =	strace s3  }
0x95: {  	s3 =	sld [smem:$0x3FFD];
	_ =	sdelay $0x3  }
0x96: {  	_ =	strace s3  }
0x97: {  	_ =	strace $0x8FFFFFFF  }
0x98: {  	s19 =	sld [smem:$0x3FDB];
	_ =	sdelay $0x1  }
0x99: {  	s4 =	simm.s32 $_scs_section_size  }
0x9a: {  	s5 =	simm.s32 $_size__tile_overlayer_lowered;
	s6 =	simm.s32 $_tile_overlayer_lowered  }
0x9b: {  	s22 =	simm.s32 $0x1BFF;
	s21 =	sshll.u32 s6, $0x1;
	s3 =	sadd.s32 s4, s19  }
0x9c: {  	s7 =	simm.s32 $0x0;
	s20 =	sshll.u32 s5, $0x1;
	s5 =	sadd.s32 s21, s3  }
0x9d: {  	[timem:s7], [sflag:s22] =	dma.local [hbm:s5], s20  }
0x9e: {  	_ =	swait.ge [sflag:s22], s20  }
0x9f: {  	s4 =	ssub.s32 $0x0, s20;
	[sflag:s22] =	ssyncset.done $0x0  }
0xa0: {  	[sflag:s22] =	ssyncadd.s32 s4;
	_ =	sdelay $0x1  }
0xa1: {  	s23 =	simm.s32 $0x1B8B  }
0xa2: {  	_ =	swait.ge [sflag:s23], $0x1  }
0xa3: {  	[sflag:s23] =	ssyncset.done $0x0  }
0xa4: {  	s25 =	simm.s32 $0x1B8E;
	s24 =	sld [smem:$0x3FFE];
	[sflag:s23] =	ssyncadd.s32 $0xFFFFFFFF  }
0xa5: {  	s26 =	simm.s32 $execute0_lowered;
	[smem:$0x3FD2] =	sst s25  }
0xa6: {  	s5 =	sshll.u32 s26, $0x1;
	_ =	strace $0x80000049;
	[dreg:$0x1] =	wrdreg $0xFFFFFFFF  }
0xa7: {  	s28 =	simm.s32 $_size_execute0_lowered;
	s3 =	sadd.s32 s3, s5;
	[dreg:$0x0] =	wrdreg $0x0  }
0xa8: {  	s5 =	sshll.u32 s28, $0x1;
	[dreg:$0x2] =	wrdreg s3  }
0xa9: {  	[dreg:$0x3] =	wrdreg s5  }
0xaa: {  	[dreg:$0x4] =	wrdreg $0xC0  }
0xab: {  	_ =	task [dreg:s7], $0x5FFFF  }
0xac: {  	[dreg:$0x1] =	wrdreg $0xFFFFFFFF  }
0xad: {  	[dreg:$0x0] =	wrdreg $0x60  }
0xae: {  	[dreg:$0x2] =	wrdreg s24  }
0xaf: {  	[dreg:$0x3] =	wrdreg s2  }
0xb0: {  	[dreg:$0x4] =	wrdreg $0xB0000  }
0xb1: {  	[dreg:$0x5] =	wrdreg $0x9  }
0xb2: {  	_ =	task.clear_ibuf [dreg:s7], $0x6FFFF;
	_ =	strace $0x90000049  }
0xb3: {  	s29 =	simm.s32 $0x9;
	_ =	strace $0x8000004B  }
0xb4: {  	_ =	swait.ge [sflag:s29], $0x1  }
0xb5: {  	[sflag:s29] =	ssyncadd.s32 $0xFFFFFFFF  }
0xb6: {  	_ =	strace $0x9000004B  }
0xb7: {  	_ =	sfence  }
0xb8: {  	s30 =	sld [smem:$0x0];
	_ =	sdelay $0x2  }
0xb9: {  	s31 =	sshll.u32 s1, $0xD;
	s1 =	sshrl.u32 s1, $0x2  }
0xba: {  	s3 =	sand.u32 $0x4000, s31;
	s1 =	sadd.s32 s1, s30  }
0xbb: {  	s0 =	sor.u32 s3, s0;
	s1 =	sshll.u32 s1, $0x11  }
0xbc: {  	s0 =	sor.u32 s1, s0  }
0xbd: {  	s0 =	sadd.s32 $0x8F2B, s0  }
0xbe: {  	[sflag:s0] =	ssyncadd.remote.s32 $0x1  }
0xbf: {  	_ =	sfence.sel $0xFFFF  }
0xc0: {  	[dreg:$0x0] =	wrdreg $0xFFFFFFFF;
	(pc) =	sbr.abs _section_cstart, $3  }
0xc1: {  	[dreg:$0x1] =	wrdreg $0xFFFFFFFF  }
0xc2: {  	_ =	task.clear_ibuf [dreg:s7], $0x2FFFF;
	_ =	strace $0x9FFFFFFF  }
0xc3: {  	(tm) =	ssettm $0x7FFFFFFF  }
tec
execute0_lowered:
.L_overlay_start_1:
0x0: {  	(tag) =	ssettag $0x1  }
0x1: {  	s6 =	rddreg [dreg:$0x0]  }
0x2: {  	s7 =	rddreg [dreg:$0x1]  }
0x3: {  	s2 =	rddreg [dreg:$0x2]  }
0x4: {  	s0 =	rddreg [dreg:$0x3];
	s4 =	srdreg.scid  }
0x5: {  	s3 =	simm.s32 $0x0;
	s1 =	stileid.u32;
	s14 =	simm.s32 $0x50  }
0x6: {  	s15 =	simm.s32 $0x8000;
	s16 =	simm.s32 $0x1;
	s19 =	simm.s32 $0x0  }
0x7: {  	s5 =	sand.u32 $0x1, s4;
	s8 =	sshll.u32 s1, $0xB;
	s10 =	smul.u32 $0x14000, s1  }
0x8: {  	[smem:$0x7FF] =	sst s3;
	s12 =	smul.u32 $0x50000, s1;
	s17 =	sshll.u32 s1, $0x6  }
0x9: {  	s4 =	sshll.u32 s5, $0xF;
	s9 =	smul.u32 $0x140000, s5;
	_ =	strace $0x8000004A  }
0xa: {  	s30 =	ssub.s32 $0x2, s5;
	s5 =	sadd.s32 $0x13800, s6;
	s17 =	sor.u32 $0x1C02, s17  }
0xb: {  	s8 =	sor.u32 s8, s4;
	s4 =	sadd.s32 $0x64000, s6;
	s13 =	sshrl.u32 s30, $0x1  }
0xc: {  	s31 =	sshrl.u32 s12, $0x2;
	s12 =	simm.s32 $0x2;
	s11 =	sadd.s32 s8, s6  }
0xd: {  	s9 =	sadd.s32 s10, s9;
	s10 =	ssub.s32 s30, s13;
	s7 =	sadd.s32 s7, s8  }
0xe: {  	s13 =	simm.s32 $0x4000;
	s9 =	sshrl.u32 s9, $0x3;
	s8 =	sadd.s32 $0x3800, s11  }
0xf: {  	s10 =	smax.u32 s10, $0x1;
	s9 =	sadd.s32 s9, s6;
	s6 =	sadd.s32 s31, s2  }
0x10: {  	s11 =	simm.s32 $0xA800;
	s9 =	sadd.s32 $0x8C000, s9;
	s18 =	sshrl.u32 s6, $0x3  }
.LBB2_1:
0x11: {  	[tilespmem:s11], [sflag:$0x2] =	stream.linear.gather [hbm4b:s5+s3], $0x800, $0x38;
	[tilespmem:$0x1F000] =	vst v63  }
0x12: {  	_ =	swait.ge [sflag:s12], $0x800  }
0x13: {  	[sflag:s12] =	ssyncset.done $0x0  }
0x14: {  	s20 =	sadd.s32 $0x0, s6;
	[sflag:s12] =	ssyncadd.s32 $0xFFFFF800  }
0x15: {  	[spmem:s20] =	stream.linear.scatter [tilespmem:s11], [sflag:$0x2], $0x800, $0x38;
	[tilespmem:$0x1F000] =	vst v63  }
0x16: {  	s20 =	simm.s32 $0x2000;
	_ =	swait.ge [sflag:s12], $0x800  }
.LBB2_2:
0x17: {  	s21 =	sshra.s32 s20, $0x2;
	[sflag:s12] =	ssyncset.done $0x0;
	p0 =	sne.s32 s20, $0x4E000  }
.Ltmp0:
0x18: {  	s21 =	sadd.s32 s21, s6;
	[sflag:s12] =	ssyncadd.s32 $0xFFFFF800;
	(pc) =	sbr.rel @p0 .LBB2_2-.Ltmp0, $3  }
0x19: {  	[spmem:s21] =	stream.linear.scatter [tilespmem:s11], [sflag:$0x2], $0x800, $0x38;
	[tilespmem:$0x1F000] =	vst v63  }
0x1a: {  	s20 =	sadd.s32 $0x2000, s20;
	_ =	sdelay $0x1  }
0x1b: {  	_ =	swait.ge [sflag:s12], $0x800  }
0x1c: {  	[sflag:s12] =	ssyncset.done $0x0  }
0x1d: {  	[sflag:s12] =	ssyncadd.s32 $0xFFFFF800  }
0x1e: {  	[bflag:$0x0] =	sbarrier.arrive $0xFFFF  }
0x1f: {  	s20 =	simm.s32 $0x0;
	[bflag:$0x0] =	sbarrier.arrive $0xFFFF  }
0x20: {  	[tilespmem:s20], [sflag:$0x2] =	stream.linear.gather [hbm4b:s7+s20], $0x3F00, $0x38;
	[tilespmem:$0x1F000] =	vst v63  }
0x21: {  	_ =	swait.ge [sflag:s12], $0x3F00  }
0x22: {  	[sflag:s12] =	ssyncset.done $0x0  }
0x23: {  	[sflag:s12] =	ssyncadd.s32 $0xFFFFC100  }
0x24: {  	[tilespmem:s13], [sflag:$0x2] =	stream.linear.gather [hbm4b:s8+s20], $0x3F00, $0x38;
	[tilespmem:$0x1F000] =	vst v63  }
0x25: {  	_ =	swait.ge [sflag:s12], $0x3F00  }
0x26: {  	[sflag:s12] =	ssyncset.done $0x0  }
0x27: {  	s30 =	simm.s32 $0x0;
	[sflag:s12] =	ssyncadd.s32 $0xFFFFC100  }
0x28: {  	[tilespmem:s15], [sflag:$0x1] =	stream.indirect.gather [hbm4b:s4+s14], $0x80, s30, s14, $0xb8;
	[tilespmem:$0x1F000] =	vst v63  }
0x29: {  	_ =	swait.ge [sflag:s16], $0x2800  }
0x2a: {  	[sflag:s16] =	ssyncset.done $0x0  }
0x2b: {  	s31 =	simm.s32 $0x4000;
	[sflag:s16] =	ssyncadd.s32 $0xFFFFD800  }
0x2c: {  	[spmem:s2] =	stream.indirect.scatter.add.f32 [tilespmem:s15], [sflag:$0x2], $0x80, s31, s14, $0xb8;
	[tilespmem:$0x1F000] =	vst v63  }
0x2d: {  	_ =	swait.ge [sflag:s12], $0x2800  }
0x2e: {  	s21 =	simm.s32 $0x400;
	s20 =	simm.s32 $0x200;
	[sflag:s12] =	ssyncset.done $0x0  }
.LBB2_4:
0x2f: {  	s22 =	sshra.s32 s20, $0x2  }
0x30: {  	[sflag:s12] =	ssyncadd.s32 $0xFFFFD800;
	s20 =	smov.u32 s21;
	s23 =	sadd.s32 $0x200, s21  }
0x31: {  	[tilespmem:s15], [sflag:$0x1] =	stream.indirect.gather [hbm4b:s4+s14], $0x80, s22, s14, $0xb8;
	[tilespmem:$0x1F000] =	vst v63  }
0x32: {  	p0 =	sne.s32 s21, $0xFA00;
	_ =	swait.ge [sflag:s16], $0x2800  }
.Ltmp1:
0x33: {  	[sflag:s16] =	ssyncset.done $0x0;
	(pc) =	sbr.rel @p0 .LBB2_4-.Ltmp1, $4  }
0x34: {  	s21 =	sadd.s32 $0x4000, s22;
	[sflag:s16] =	ssyncadd.s32 $0xFFFFD800  }
0x35: {  	[spmem:s2] =	stream.indirect.scatter.add.f32 [tilespmem:s15], [sflag:$0x2], $0x80, s21, s14, $0xb8;
	[tilespmem:$0x1F000] =	vst v63  }
0x36: {  	_ =	swait.ge [sflag:s12], $0x2800  }
0x37: {  	s21 =	smov.u32 s23;
	[sflag:s12] =	ssyncset.done $0x0  }
0x38: {  	s20 =	sshra.s32 s20, $0x2;
	[sflag:s12] =	ssyncadd.s32 $0xFFFFD800  }
0x39: {  	[tilespmem:s15], [sflag:$0x1] =	stream.indirect.gather [hbm4b:s4+s14], $0x80, s20, s14, $0xb8;
	[tilespmem:$0x1F000] =	vst v63  }
0x3a: {  	_ =	swait.ge [sflag:s16], $0x2800  }
0x3b: {  	[sflag:s16] =	ssyncset.done $0x0  }
0x3c: {  	s20 =	sadd.s32 $0x4000, s20;
	[sflag:s16] =	ssyncadd.s32 $0xFFFFD800  }
0x3d: {  	[spmem:s2] =	stream.indirect.scatter.add.f32 [tilespmem:s15], [sflag:$0x2], $0x80, s20, s14, $0xb8;
	[tilespmem:$0x1F000] =	vst v63  }
0x3e: {  	_ =	swait.ge [sflag:s12], $0x2800  }
0x3f: {  	[sflag:s12] =	ssyncset.done $0x0  }
0x40: {  	s19 =	sadd.s32 $0x1, s19;
	[sflag:s12] =	ssyncadd.s32 $0xFFFFD800  }
0x41: {  	p0 =	sne.s32 s19, s10;
	[bflag:$0x0] =	sbarrier.arrive $0xFFFF  }
.Ltmp2:
0x42: {  	[bflag:$0x0] =	sbarrier.arrive $0xFFFF;
	(pc) =	sbr.rel @p0 .LBB2_1-.Ltmp2, $4  }
0x43: {  	[hbm:s9], [sflag:s17] =	dma.local [spmem:s18], $0x2800  }
0x44: {  	_ =	swait.ge [sflag:s12], $0x2800  }
0x45: {  	[sflag:s12] =	ssyncset.done $0x0  }
0x46: {  	[sflag:s12] =	ssyncadd.s32 $0xFFFFD800  }
0x47: {  	_ =	sfence.sel $0x180000  }
0x48: {  	[bflag:$0x0] =	sbarrier.arrive $0xFFFF  }
0x49: {  	p0 =	sne.s32 s1, $0x0;
	_ =	strace $0x9000004A  }
0x4a: {  	s0 =	sadd.s32 @!p0 $0x100000, s0;
	[bflag:$0x2] =	sbarrier.arrive $0xFFFF  }
0x4b: {  	[sflag:s0] =	ssyncadd.tile.s32 @!p0 $0x1;
	_ =	shalt  }
.Lfunc_end2:
_tile_overlayer_lowered:
.L_overlay_start_2:
0x4c: {  	(tag) =	ssettag $0x2  }
0x4d: {  	s0 =	rddreg [dreg:$0x0];
	s2 =	stileid.u32  }
0x4e: {  	s1 =	rddreg [dreg:$0x1];
	p0 =	sne.s32 s2, $0x0  }
0x4f: {  	s3 =	rddreg [dreg:$0x2];
	[bflag:$0x3] =	sbarrier.arrive $0xFFFF;
	s2 =	simm.s32 @!p0 $0x1C02  }
0x50: {  	[timem:s3], [sflag:s2] =	dma.local @!p0 [hbm:s0], s1  }
0x51: {  	s0 =	simm.s32 @!p0 $0x2  }
0x52: {  	_ =	swait.ge @!p0 [sflag:s0], s1  }
0x53: {  	s1 =	ssub.s32 @!p0 $0x0, s1;
	[sflag:s0] =	ssyncset.done @!p0 $0x0  }
0x54: {  	[sflag:s0] =	ssyncadd.s32 @!p0 s1  }
0x55: {  	[bflag:$0x3] =	sbarrier.arrive $0xFFFF  }
0x56: {  	_ =	shalt  }

// kernel: kernel.15.cloned.1.call-start
scs
__scs_entry_jumppad:
0x0: {  	(pc) =	sbr.rel $0x88, $3  }
0x1: {  	(tag) =	ssettag $0x0;
	lr =	simm.s32 $0x1  }
0x2: {  	[smem:$0x3F96] =	sst lr;
	_ =	strace $0xD0000000  }
0x3: {  	_ = 	snop  }
0x4: {  	_ = 	snop  }
0x5: {  	_ = 	snop  }
0x6: {  	_ = 	snop  }
0x7: {  	_ = 	snop  }
__scs_overlays_trampoline_lowered:
0x8: {  	[smem:$0x3FA5] =	sst s0  }
0x9: {  	[smem:$0x3FA6] =	sst s1  }
0xa: {  	[smem:$0x3FA7] =	sst s2  }
0xb: {  	[smem:$0x3FA8] =	sst s3  }
0xc: {  	[smem:$0x3FA9] =	sst s4  }
0xd: {  	[smem:$0x3FAA] =	sst s5  }
0xe: {  	[smem:$0x3FAB] =	sst s6  }
0xf: {  	[smem:$0x3FAC] =	sst s7  }
0x10: {  	[smem:$0x3FAD] =	sst s8  }
0x11: {  	[smem:$0x3FAE] =	sst s9;
	s0 =	simm.s32 @!p0 $0x0  }
0x12: {  	s1 =	sld [smem:$0x3F94];
	s0 =	simm.s32 @p0 $0x1  }
0x13: {  	[smem:$0x3FAF] =	sst s0;
	s0 =	simm.s32 @!p1 $0x0  }
0x14: {  	s2 =	sld [smem:$0x3F93];
	s0 =	simm.s32 @p1 $0x1  }
0x15: {  	[smem:$0x3FB0] =	sst s0;
	s0 =	simm.s32 @!p2 $0x0  }
0x16: {  	s3 =	sld [smem:$0x3FDB];
	s0 =	simm.s32 @p2 $0x1  }
0x17: {  	s4 =	simm.s32 $0x1BF5;
	[smem:$0x3FB2] =	sst s0  }
0x18: {  	s0 =	sld [smem:$0x3F95];
	_ =	swait.ge [sflag:s4], $0x0  }
0x19: {  	s7 =	sld [smem:$0x3F96]  }
0x1a: {  	s8 =	sadd.s32 $0xFFFFE003, lr  }
0x1b: {  	s9 =	sadd.s32 $0xFFFFFEF7, lr;
	s5 =	simm.s32 $0xFFFFFFFF;
	p2 =	slt.u32 s8, $0xFFFFF086  }
0x1c: {  	p1 =	slt.u32 s9, $0xF7A;
	s5 =	simm.s32 @!p2 $0x0  }
0x1d: {  	s5 =	simm.s32 @p1 $0x1;
	p0 =	seq.s32 s7, s2  }
0x1e: {  	s7 =	smul.u32 @!p0 $0xF7A, s2;
	p2 =	seq.s32 @!p0 s5, $0x0  }
0x1f: {  	s9 =	smul.u32 $0xF7A, s1;
	s8 =	simm.s32 @!p0 $0x1BF5;
	p2 =	por !p2, p0  }
0x20: {  	[sflag:s8] =	ssyncset.s32 @!p0 $0xFFFFF086;
	s6 =	sadd.s32 @!p0 s3, s7;
	s7 =	simm.s32 @!p0 $0x108  }
0x21: {  	s3 =	sadd.s32 s3, s9;
	s6 =	sadd.s32 @!p0 $0x88, s6;
	s7 =	simm.s32 @p2 $0x1082  }
0x22: {  	[simem:s7], [sflag:s8] =	dma.local @!p0 [hbm:s6], $0xF7A  }
0x23: {  	s9 =	sor.u32 $0xD0000000, s2;
	s6 =	simm.s32 $0x108;
	_ =	swait.ge @!p0 [sflag:s8], $0x0  }
0x24: {  	s3 =	sadd.s32 $0x88, s3;
	s6 =	simm.s32 @!p1 $0x1082;
	[sflag:s4] =	ssyncset.s32 $0xFFFFF086  }
0x25: {  	[simem:s6], [sflag:s4] =	dma.local [hbm:s3], $0xF7A  }
0x26: {  	[smem:$0x3F96] =	sst s1;
	(tag) =	ssettag s2;
	_ =	strace s9  }
0x27: {  	s1 =	sld [smem:$0x3FA6]  }
0x28: {  	s2 =	sld [smem:$0x3FA7]  }
0x29: {  	s4 =	sld [smem:$0x3FA9]  }
0x2a: {  	p0 =	seq.s32 s5, $0x0;
	s5 =	sld [smem:$0x3FAA]  }
0x2b: {  	s6 =	sld [smem:$0x3FAB]  }
0x2c: {  	s7 =	sld [smem:$0x3FAC]  }
0x2d: {  	s3 =	simm.s32 $0x108;
	s8 =	sld [smem:$0x3FAD]  }
0x2e: {  	s3 =	simm.s32 @!p0 $0x1082;
	s9 =	sld [smem:$0x3FAE]  }
0x2f: {  	lr =	sadd.s32 s0, s3;
	s0 =	sld [smem:$0x3FA5]  }
0x30: {  	s3 =	sld [smem:$0x3FA8]  }
0x31: {  	[smem:$0x3FB1] =	sst s10  }
0x32: {  	s10 =	sld [smem:$0x3FAF];
	_ =	sdelay $0x3  }
0x33: {  	p0 =	seq.s32 s10, $0x1;
	s10 =	sld [smem:$0x3FB1];
	_ =	sdelay $0x3  }
0x34: {  	[smem:$0x3FB1] =	sst s10  }
0x35: {  	s10 =	sld [smem:$0x3FB0];
	_ =	sdelay $0x3  }
0x36: {  	p1 =	seq.s32 s10, $0x1;
	s10 =	sld [smem:$0x3FB1];
	_ =	sdelay $0x3  }
0x37: {  	[smem:$0x3FB1] =	sst s10  }
0x38: {  	s10 =	sld [smem:$0x3FB2]  }
0x39: {  	_ = 	snop;
	(pc) =	sbr.ind lr, $3  }
0x3a: {  	_ = 	snop  }
0x3b: {  	_ = 	snop  }
0x3c: {  	p2 =	seq.s32 s10, $0x1;
	s10 =	sld [smem:$0x3FB1]  }
0x3d: {  	_ =	shalt  }
0x3e: {  	_ =	shalt  }
0x3f: {  	_ =	shalt  }
0x40: {  	_ =	shalt  }
0x41: {  	_ =	shalt  }
0x42: {  	_ =	shalt  }
0x43: {  	_ =	shalt  }
0x44: {  	_ =	shalt  }
0x45: {  	_ =	shalt  }
0x46: {  	_ =	shalt  }
0x47: {  	_ =	shalt  }
0x48: {  	_ =	shalt  }
0x49: {  	_ =	shalt  }
0x4a: {  	_ =	shalt  }
0x4b: {  	_ =	shalt  }
0x4c: {  	_ =	shalt  }
0x4d: {  	_ =	shalt  }
0x4e: {  	_ =	shalt  }
0x4f: {  	_ =	shalt  }
0x50: {  	_ =	shalt  }
0x51: {  	_ =	shalt  }
0x52: {  	_ =	shalt  }
0x53: {  	_ =	shalt  }
0x54: {  	_ =	shalt  }
0x55: {  	_ =	shalt  }
0x56: {  	_ =	shalt  }
0x57: {  	_ =	shalt  }
0x58: {  	_ =	shalt  }
0x59: {  	_ =	shalt  }
0x5a: {  	_ =	shalt  }
0x5b: {  	_ =	shalt  }
0x5c: {  	_ =	shalt  }
0x5d: {  	_ =	shalt  }
0x5e: {  	_ =	shalt  }
0x5f: {  	_ =	shalt  }
0x60: {  	_ =	shalt  }
0x61: {  	_ =	shalt  }
0x62: {  	_ =	shalt  }
0x63: {  	_ =	shalt  }
0x64: {  	_ =	shalt  }
0x65: {  	_ =	shalt  }
0x66: {  	_ =	shalt  }
0x67: {  	_ =	shalt  }
0x68: {  	_ =	shalt  }
0x69: {  	_ =	shalt  }
0x6a: {  	_ =	shalt  }
0x6b: {  	_ =	shalt  }
0x6c: {  	_ =	shalt  }
0x6d: {  	_ =	shalt  }
0x6e: {  	_ =	shalt  }
0x6f: {  	_ =	shalt  }
0x70: {  	_ =	shalt  }
0x71: {  	_ =	shalt  }
0x72: {  	_ =	shalt  }
0x73: {  	_ =	shalt  }
0x74: {  	_ =	shalt  }
0x75: {  	_ =	shalt  }
0x76: {  	_ =	shalt  }
0x77: {  	_ =	shalt  }
0x78: {  	_ =	shalt  }
0x79: {  	_ =	shalt  }
0x7a: {  	_ =	shalt  }
0x7b: {  	_ =	shalt  }
0x7c: {  	_ =	shalt  }
0x7d: {  	_ =	shalt  }
0x7e: {  	_ =	shalt  }
0x7f: {  	_ =	shalt  }
0x80: {  	_ =	shalt  }
0x81: {  	_ =	shalt  }
0x82: {  	_ =	shalt  }
0x83: {  	_ =	shalt  }
0x84: {  	_ =	shalt  }
0x85: {  	_ =	shalt  }
0x86: {  	_ =	shalt  }
0x87: {  	_ =	shalt  }
.Lfunc_end0:
.L_simem_size_0:
called_computation.2_lowered:
.L_overlay_start_0:
0x88: {  	s2 =	sld [smem:$0x3FD9]  }
0x89: {  	s3 =	sld [smem:$0x3FFE];
	_ =	sdelay $0x1  }
0x8a: {  	s1 =	srdreg.scid  }
0x8b: {  	s0 =	sand.u32 $0x1, s1  }
0x8c: {  	s17 =	sshll.u32 s0, $0xA;
	s2 =	sadd.s32 s3, s2  }
0x8d: {  	s2 =	sadd.s32 s2, s17  }
0x8e: {  	[smem:$0x3FBD] =	sst s2  }
0x8f: {  	_ = 	snop  }
0x90: {  	s2 =	sld [smem:$0x3FD0];
	(tm) =	ssettm $0x1  }
0x91: {  	s18 =	sld [smem:$0x3FFB];
	_ =	sdelay $0x3  }
0x92: {  	_ =	strace s18  }
0x93: {  	s3 =	sld [smem:$0x3FFC];
	_ =	sdelay $0x3  }
0x94: {  	_ =	strace s3  }
0x95: {  	s3 =	sld [smem:$0x3FFD];
	_ =	sdelay $0x3  }
0x96: {  	_ =	strace s3  }
0x97: {  	_ =	strace $0x8FFFFFFF  }
0x98: {  	s19 =	sld [smem:$0x3FDB];
	_ =	sdelay $0x1  }
0x99: {  	s4 =	simm.s32 $_scs_section_size  }
0x9a: {  	s5 =	simm.s32 $_size__tile_overlayer_lowered;
	s6 =	simm.s32 $_tile_overlayer_lowered  }
0x9b: {  	s22 =	simm.s32 $0x1BFF;
	s21 =	sshll.u32 s6, $0x1;
	s3 =	sadd.s32 s4, s19  }
0x9c: {  	s7 =	simm.s32 $0x0;
	s20 =	sshll.u32 s5, $0x1;
	s5 =	sadd.s32 s21, s3  }
0x9d: {  	[timem:s7], [sflag:s22] =	dma.local [hbm:s5], s20  }
0x9e: {  	_ =	swait.ge [sflag:s22], s20  }
0x9f: {  	s4 =	ssub.s32 $0x0, s20;
	[sflag:s22] =	ssyncset.done $0x0  }
0xa0: {  	[sflag:s22] =	ssyncadd.s32 s4;
	_ =	sdelay $0x1  }
0xa1: {  	s23 =	simm.s32 $0x1B8B  }
0xa2: {  	_ =	swait.ge [sflag:s23], $0x1  }
0xa3: {  	[sflag:s23] =	ssyncset.done $0x0  }
0xa4: {  	s25 =	simm.s32 $0x1B8E;
	s24 =	sld [smem:$0x3FFE];
	[sflag:s23] =	ssyncadd.s32 $0xFFFFFFFF  }
0xa5: {  	s26 =	simm.s32 $execute0_lowered;
	[smem:$0x3FD2] =	sst s25  }
0xa6: {  	s5 =	sshll.u32 s26, $0x1;
	_ =	strace $0x8000004C;
	[dreg:$0x1] =	wrdreg $0xFFFFFFFF  }
0xa7: {  	s28 =	simm.s32 $_size_execute0_lowered;
	s3 =	sadd.s32 s3, s5;
	[dreg:$0x0] =	wrdreg $0x0  }
0xa8: {  	s5 =	sshll.u32 s28, $0x1;
	[dreg:$0x2] =	wrdreg s3  }
0xa9: {  	[dreg:$0x3] =	wrdreg s5  }
0xaa: {  	[dreg:$0x4] =	wrdreg $0xC0  }
0xab: {  	_ =	task [dreg:s7], $0x5FFFF  }
0xac: {  	[dreg:$0x1] =	wrdreg $0xFFFFFFFF  }
0xad: {  	[dreg:$0x0] =	wrdreg $0x60  }
0xae: {  	[dreg:$0x2] =	wrdreg s24  }
0xaf: {  	[dreg:$0x3] =	wrdreg s2  }
0xb0: {  	[dreg:$0x4] =	wrdreg $0xB0000  }
0xb1: {  	[dreg:$0x5] =	wrdreg $0x9  }
0xb2: {  	_ =	task.clear_ibuf [dreg:s7], $0x6FFFF;
	_ =	strace $0x9000004C  }
0xb3: {  	s29 =	simm.s32 $0x9;
	_ =	strace $0x8000004E  }
0xb4: {  	_ =	swait.ge [sflag:s29], $0x1  }
0xb5: {  	[sflag:s29] =	ssyncadd.s32 $0xFFFFFFFF  }
0xb6: {  	_ =	strace $0x9000004E  }
0xb7: {  	_ =	sfence  }
0xb8: {  	s30 =	sld [smem:$0x0];
	_ =	sdelay $0x2  }
0xb9: {  	s31 =	sshll.u32 s1, $0xD;
	s1 =	sshrl.u32 s1, $0x2  }
0xba: {  	s3 =	sand.u32 $0x4000, s31;
	s1 =	sadd.s32 s1, s30  }
0xbb: {  	s0 =	sor.u32 s3, s0;
	s1 =	sshll.u32 s1, $0x11  }
0xbc: {  	s0 =	sor.u32 s1, s0  }
0xbd: {  	s0 =	sadd.s32 $0x8F2B, s0  }
0xbe: {  	[sflag:s0] =	ssyncadd.remote.s32 $0x1  }
0xbf: {  	_ =	sfence.sel $0xFFFF  }
0xc0: {  	[dreg:$0x0] =	wrdreg $0xFFFFFFFF;
	(pc) =	sbr.abs _section_cstart, $3  }
0xc1: {  	[dreg:$0x1] =	wrdreg $0xFFFFFFFF  }
0xc2: {  	_ =	task.clear_ibuf [dreg:s7], $0x2FFFF;
	_ =	strace $0x9FFFFFFF  }
0xc3: {  	(tm) =	ssettm $0x7FFFFFFF  }
tec
execute0_lowered:
.L_overlay_start_1:
0x0: {  	(tag) =	ssettag $0x1  }
0x1: {  	s6 =	rddreg [dreg:$0x0]  }
0x2: {  	s7 =	rddreg [dreg:$0x1]  }
0x3: {  	s2 =	rddreg [dreg:$0x2]  }
0x4: {  	s0 =	rddreg [dreg:$0x3];
	s4 =	srdreg.scid  }
0x5: {  	s3 =	simm.s32 $0x0;
	s1 =	stileid.u32;
	s14 =	simm.s32 $0x50  }
0x6: {  	s15 =	simm.s32 $0x8000;
	s16 =	simm.s32 $0x1;
	s19 =	simm.s32 $0x0  }
0x7: {  	s5 =	sand.u32 $0x1, s4;
	s8 =	sshll.u32 s1, $0xB;
	s10 =	smul.u32 $0x14000, s1  }
0x8: {  	[smem:$0x7FF] =	sst s3;
	s12 =	smul.u32 $0x50000, s1;
	s17 =	sshll.u32 s1, $0x6  }
0x9: {  	s4 =	sshll.u32 s5, $0xF;
	s9 =	smul.u32 $0x140000, s5;
	_ =	strace $0x8000004D  }
0xa: {  	s30 =	ssub.s32 $0x2, s5;
	s5 =	sadd.s32 $0x13800, s6;
	s17 =	sor.u32 $0x1C02, s17  }
0xb: {  	s8 =	sor.u32 s8, s4;
	s4 =	sadd.s32 $0x3BA00, s6;
	s13 =	sshrl.u32 s30, $0x1  }
0xc: {  	s31 =	sshrl.u32 s12, $0x2;
	s12 =	simm.s32 $0x2;
	s11 =	sadd.s32 s8, s6  }
0xd: {  	s9 =	sadd.s32 s10, s9;
	s10 =	ssub.s32 s30, s13;
	s7 =	sadd.s32 s7, s8  }
0xe: {  	s13 =	simm.s32 $0x4000;
	s9 =	sshrl.u32 s9, $0x3;
	s8 =	sadd.s32 $0x3800, s11  }
0xf: {  	s10 =	smax.u32 s10, $0x1;
	s9 =	sadd.s32 s9, s6;
	s6 =	sadd.s32 s31, s2  }
0x10: {  	s11 =	simm.s32 $0xA800;
	s9 =	sadd.s32 $0x63A00, s9;
	s18 =	sshrl.u32 s6, $0x3  }
.LBB2_1:
0x11: {  	[tilespmem:s11], [sflag:$0x2] =	stream.linear.gather [hbm4b:s5+s3], $0x800, $0x38;
	[tilespmem:$0x1F000] =	vst v63  }
0x12: {  	_ =	swait.ge [sflag:s12], $0x800  }
0x13: {  	[sflag:s12] =	ssyncset.done $0x0  }
0x14: {  	s20 =	sadd.s32 $0x0, s6;
	[sflag:s12] =	ssyncadd.s32 $0xFFFFF800  }
0x15: {  	[spmem:s20] =	stream.linear.scatter [tilespmem:s11], [sflag:$0x2], $0x800, $0x38;
	[tilespmem:$0x1F000] =	vst v63  }
0x16: {  	s20 =	simm.s32 $0x2000;
	_ =	swait.ge [sflag:s12], $0x800  }
.LBB2_2:
0x17: {  	s21 =	sshra.s32 s20, $0x2;
	[sflag:s12] =	ssyncset.done $0x0;
	p0 =	sne.s32 s20, $0x4E000  }
.Ltmp0:
0x18: {  	s21 =	sadd.s32 s21, s6;
	[sflag:s12] =	ssyncadd.s32 $0xFFFFF800;
	(pc) =	sbr.rel @p0 .LBB2_2-.Ltmp0, $3  }
0x19: {  	[spmem:s21] =	stream.linear.scatter [tilespmem:s11], [sflag:$0x2], $0x800, $0x38;
	[tilespmem:$0x1F000] =	vst v63  }
0x1a: {  	s20 =	sadd.s32 $0x2000, s20;
	_ =	sdelay $0x1  }
0x1b: {  	_ =	swait.ge [sflag:s12], $0x800  }
0x1c: {  	[sflag:s12] =	ssyncset.done $0x0  }
0x1d: {  	[sflag:s12] =	ssyncadd.s32 $0xFFFFF800  }
0x1e: {  	[bflag:$0x0] =	sbarrier.arrive $0xFFFF  }
0x1f: {  	s20 =	simm.s32 $0x0;
	[bflag:$0x0] =	sbarrier.arrive $0xFFFF  }
0x20: {  	[tilespmem:s20], [sflag:$0x2] =	stream.linear.gather [hbm4b:s7+s20], $0x3F00, $0x38;
	[tilespmem:$0x1F000] =	vst v63  }
0x21: {  	_ =	swait.ge [sflag:s12], $0x3F00  }
0x22: {  	[sflag:s12] =	ssyncset.done $0x0  }
0x23: {  	[sflag:s12] =	ssyncadd.s32 $0xFFFFC100  }
0x24: {  	[tilespmem:s13], [sflag:$0x2] =	stream.linear.gather [hbm4b:s8+s20], $0x3F00, $0x38;
	[tilespmem:$0x1F000] =	vst v63  }
0x25: {  	_ =	swait.ge [sflag:s12], $0x3F00  }
0x26: {  	[sflag:s12] =	ssyncset.done $0x0  }
0x27: {  	s30 =	simm.s32 $0x0;
	[sflag:s12] =	ssyncadd.s32 $0xFFFFC100  }
0x28: {  	[tilespmem:s15], [sflag:$0x1] =	stream.indirect.gather [hbm4b:s4+s14], $0x80, s30, s14, $0xb8;
	[tilespmem:$0x1F000] =	vst v63  }
0x29: {  	_ =	swait.ge [sflag:s16], $0x2800  }
0x2a: {  	[sflag:s16] =	ssyncset.done $0x0  }
0x2b: {  	s31 =	simm.s32 $0x4000;
	[sflag:s16] =	ssyncadd.s32 $0xFFFFD800  }
0x2c: {  	[spmem:s2] =	stream.indirect.scatter.add.f32 [tilespmem:s15], [sflag:$0x2], $0x80, s31, s14, $0xb8;
	[tilespmem:$0x1F000] =	vst v63  }
0x2d: {  	_ =	swait.ge [sflag:s12], $0x2800  }
0x2e: {  	s21 =	simm.s32 $0x400;
	s20 =	simm.s32 $0x200;
	[sflag:s12] =	ssyncset.done $0x0  }
.LBB2_4:
0x2f: {  	s22 =	sshra.s32 s20, $0x2  }
0x30: {  	[sflag:s12] =	ssyncadd.s32 $0xFFFFD800;
	s20 =	smov.u32 s21;
	s23 =	sadd.s32 $0x200, s21  }
0x31: {  	[tilespmem:s15], [sflag:$0x1] =	stream.indirect.gather [hbm4b:s4+s14], $0x80, s22, s14, $0xb8;
	[tilespmem:$0x1F000] =	vst v63  }
0x32: {  	p0 =	sne.s32 s21, $0xFA00;
	_ =	swait.ge [sflag:s16], $0x2800  }
.Ltmp1:
0x33: {  	[sflag:s16] =	ssyncset.done $0x0;
	(pc) =	sbr.rel @p0 .LBB2_4-.Ltmp1, $4  }
0x34: {  	s21 =	sadd.s32 $0x4000, s22;
	[sflag:s16] =	ssyncadd.s32 $0xFFFFD800  }
0x35: {  	[spmem:s2] =	stream.indirect.scatter.add.f32 [tilespmem:s15], [sflag:$0x2], $0x80, s21, s14, $0xb8;
	[tilespmem:$0x1F000] =	vst v63  }
0x36: {  	_ =	swait.ge [sflag:s12], $0x2800  }
0x37: {  	s21 =	smov.u32 s23;
	[sflag:s12] =	ssyncset.done $0x0  }
0x38: {  	s20 =	sshra.s32 s20, $0x2;
	[sflag:s12] =	ssyncadd.s32 $0xFFFFD800  }
0x39: {  	[tilespmem:s15], [sflag:$0x1] =	stream.indirect.gather [hbm4b:s4+s14], $0x80, s20, s14, $0xb8;
	[tilespmem:$0x1F000] =	vst v63  }
0x3a: {  	_ =	swait.ge [sflag:s16], $0x2800  }
0x3b: {  	[sflag:s16] =	ssyncset.done $0x0  }
0x3c: {  	s20 =	sadd.s32 $0x4000, s20;
	[sflag:s16] =	ssyncadd.s32 $0xFFFFD800  }
0x3d: {  	[spmem:s2] =	stream.indirect.scatter.add.f32 [tilespmem:s15], [sflag:$0x2], $0x80, s20, s14, $0xb8;
	[tilespmem:$0x1F000] =	vst v63  }
0x3e: {  	_ =	swait.ge [sflag:s12], $0x2800  }
0x3f: {  	[sflag:s12] =	ssyncset.done $0x0  }
0x40: {  	s19 =	sadd.s32 $0x1, s19;
	[sflag:s12] =	ssyncadd.s32 $0xFFFFD800  }
0x41: {  	p0 =	sne.s32 s19, s10;
	[bflag:$0x0] =	sbarrier.arrive $0xFFFF  }
.Ltmp2:
0x42: {  	[bflag:$0x0] =	sbarrier.arrive $0xFFFF;
	(pc) =	sbr.rel @p0 .LBB2_1-.Ltmp2, $4  }
0x43: {  	[hbm:s9], [sflag:s17] =	dma.local [spmem:s18], $0x2800  }
0x44: {  	_ =	swait.ge [sflag:s12], $0x2800  }
0x45: {  	[sflag:s12] =	ssyncset.done $0x0  }
0x46: {  	[sflag:s12] =	ssyncadd.s32 $0xFFFFD800  }
0x47: {  	_ =	sfence.sel $0x180000  }
0x48: {  	[bflag:$0x0] =	sbarrier.arrive $0xFFFF  }
0x49: {  	p0 =	sne.s32 s1, $0x0;
	_ =	strace $0x9000004D  }
0x4a: {  	s0 =	sadd.s32 @!p0 $0x100000, s0;
	[bflag:$0x2] =	sbarrier.arrive $0xFFFF  }
0x4b: {  	[sflag:s0] =	ssyncadd.tile.s32 @!p0 $0x1;
	_ =	shalt  }
.Lfunc_end2:
_tile_overlayer_lowered:
.L_overlay_start_2:
0x4c: {  	(tag) =	ssettag $0x2  }
0x4d: {  	s0 =	rddreg [dreg:$0x0];
	s2 =	stileid.u32  }
0x4e: {  	s1 =	rddreg [dreg:$0x1];
	p0 =	sne.s32 s2, $0x0  }
0x4f: {  	s3 =	rddreg [dreg:$0x2];
	[bflag:$0x3] =	sbarrier.arrive $0xFFFF;
	s2 =	simm.s32 @!p0 $0x1C02  }
0x50: {  	[timem:s3], [sflag:s2] =	dma.local @!p0 [hbm:s0], s1  }
0x51: {  	s0 =	simm.s32 @!p0 $0x2  }
0x52: {  	_ =	swait.ge @!p0 [sflag:s0], s1  }
0x53: {  	s1 =	ssub.s32 @!p0 $0x0, s1;
	[sflag:s0] =	ssyncset.done @!p0 $0x0  }
0x54: {  	[sflag:s0] =	ssyncadd.s32 @!p0 s1  }
0x55: {  	[bflag:$0x3] =	sbarrier.arrive $0xFFFF  }
0x56: {  	_ =	shalt  }

// kernel: kernel.18.cloned.1.call-start
scs
__scs_entry_jumppad:
0x0: {  	(pc) =	sbr.rel $0x88, $3  }
0x1: {  	(tag) =	ssettag $0x0;
	lr =	simm.s32 $0x1  }
0x2: {  	[smem:$0x3F96] =	sst lr;
	_ =	strace $0xD0000000  }
0x3: {  	_ = 	snop  }
0x4: {  	_ = 	snop  }
0x5: {  	_ = 	snop  }
0x6: {  	_ = 	snop  }
0x7: {  	_ = 	snop  }
__scs_overlays_trampoline_lowered:
0x8: {  	[smem:$0x3FA5] =	sst s0  }
0x9: {  	[smem:$0x3FA6] =	sst s1  }
0xa: {  	[smem:$0x3FA7] =	sst s2  }
0xb: {  	[smem:$0x3FA8] =	sst s3  }
0xc: {  	[smem:$0x3FA9] =	sst s4  }
0xd: {  	[smem:$0x3FAA] =	sst s5  }
0xe: {  	[smem:$0x3FAB] =	sst s6  }
0xf: {  	[smem:$0x3FAC] =	sst s7  }
0x10: {  	[smem:$0x3FAD] =	sst s8  }
0x11: {  	[smem:$0x3FAE] =	sst s9;
	s0 =	simm.s32 @!p0 $0x0  }
0x12: {  	s1 =	sld [smem:$0x3F94];
	s0 =	simm.s32 @p0 $0x1  }
0x13: {  	[smem:$0x3FAF] =	sst s0;
	s0 =	simm.s32 @!p1 $0x0  }
0x14: {  	s2 =	sld [smem:$0x3F93];
	s0 =	simm.s32 @p1 $0x1  }
0x15: {  	[smem:$0x3FB0] =	sst s0;
	s0 =	simm.s32 @!p2 $0x0  }
0x16: {  	s3 =	sld [smem:$0x3FDB];
	s0 =	simm.s32 @p2 $0x1  }
0x17: {  	s4 =	simm.s32 $0x1BF5;
	[smem:$0x3FB2] =	sst s0  }
0x18: {  	s0 =	sld [smem:$0x3F95];
	_ =	swait.ge [sflag:s4], $0x0  }
0x19: {  	s7 =	sld [smem:$0x3F96]  }
0x1a: {  	s8 =	sadd.s32 $0xFFFFE003, lr  }
0x1b: {  	s9 =	sadd.s32 $0xFFFFFEF7, lr;
	s5 =	simm.s32 $0xFFFFFFFF;
	p2 =	slt.u32 s8, $0xFFFFF086  }
0x1c: {  	p1 =	slt.u32 s9, $0xF7A;
	s5 =	simm.s32 @!p2 $0x0  }
0x1d: {  	s5 =	simm.s32 @p1 $0x1;
	p0 =	seq.s32 s7, s2  }
0x1e: {  	s7 =	smul.u32 @!p0 $0xF7A, s2;
	p2 =	seq.s32 @!p0 s5, $0x0  }
0x1f: {  	s9 =	smul.u32 $0xF7A, s1;
	s8 =	simm.s32 @!p0 $0x1BF5;
	p2 =	por !p2, p0  }
0x20: {  	[sflag:s8] =	ssyncset.s32 @!p0 $0xFFFFF086;
	s6 =	sadd.s32 @!p0 s3, s7;
	s7 =	simm.s32 @!p0 $0x108  }
0x21: {  	s3 =	sadd.s32 s3, s9;
	s6 =	sadd.s32 @!p0 $0x88, s6;
	s7 =	simm.s32 @p2 $0x1082  }
0x22: {  	[simem:s7], [sflag:s8] =	dma.local @!p0 [hbm:s6], $0xF7A  }
0x23: {  	s9 =	sor.u32 $0xD0000000, s2;
	s6 =	simm.s32 $0x108;
	_ =	swait.ge @!p0 [sflag:s8], $0x0  }
0x24: {  	s3 =	sadd.s32 $0x88, s3;
	s6 =	simm.s32 @!p1 $0x1082;
	[sflag:s4] =	ssyncset.s32 $0xFFFFF086  }
0x25: {  	[simem:s6], [sflag:s4] =	dma.local [hbm:s3], $0xF7A  }
0x26: {  	[smem:$0x3F96] =	sst s1;
	(tag) =	ssettag s2;
	_ =	strace s9  }
0x27: {  	s1 =	sld [smem:$0x3FA6]  }
0x28: {  	s2 =	sld [smem:$0x3FA7]  }
0x29: {  	s4 =	sld [smem:$0x3FA9]  }
0x2a: {  	p0 =	seq.s32 s5, $0x0;
	s5 =	sld [smem:$0x3FAA]  }
0x2b: {  	s6 =	sld [smem:$0x3FAB]  }
0x2c: {  	s7 =	sld [smem:$0x3FAC]  }
0x2d: {  	s3 =	simm.s32 $0x108;
	s8 =	sld [smem:$0x3FAD]  }
0x2e: {  	s3 =	simm.s32 @!p0 $0x1082;
	s9 =	sld [smem:$0x3FAE]  }
0x2f: {  	lr =	sadd.s32 s0, s3;
	s0 =	sld [smem:$0x3FA5]  }
0x30: {  	s3 =	sld [smem:$0x3FA8]  }
0x31: {  	[smem:$0x3FB1] =	sst s10  }
0x32: {  	s10 =	sld [smem:$0x3FAF];
	_ =	sdelay $0x3  }
0x33: {  	p0 =	seq.s32 s10, $0x1;
	s10 =	sld [smem:$0x3FB1];
	_ =	sdelay $0x3  }
0x34: {  	[smem:$0x3FB1] =	sst s10  }
0x35: {  	s10 =	sld [smem:$0x3FB0];
	_ =	sdelay $0x3  }
0x36: {  	p1 =	seq.s32 s10, $0x1;
	s10 =	sld [smem:$0x3FB1];
	_ =	sdelay $0x3  }
0x37: {  	[smem:$0x3FB1] =	sst s10  }
0x38: {  	s10 =	sld [smem:$0x3FB2]  }
0x39: {  	_ = 	snop;
	(pc) =	sbr.ind lr, $3  }
0x3a: {  	_ = 	snop  }
0x3b: {  	_ = 	snop  }
0x3c: {  	p2 =	seq.s32 s10, $0x1;
	s10 =	sld [smem:$0x3FB1]  }
0x3d: {  	_ =	shalt  }
0x3e: {  	_ =	shalt  }
0x3f: {  	_ =	shalt  }
0x40: {  	_ =	shalt  }
0x41: {  	_ =	shalt  }
0x42: {  	_ =	shalt  }
0x43: {  	_ =	shalt  }
0x44: {  	_ =	shalt  }
0x45: {  	_ =	shalt  }
0x46: {  	_ =	shalt  }
0x47: {  	_ =	shalt  }
0x48: {  	_ =	shalt  }
0x49: {  	_ =	shalt  }
0x4a: {  	_ =	shalt  }
0x4b: {  	_ =	shalt  }
0x4c: {  	_ =	shalt  }
0x4d: {  	_ =	shalt  }
0x4e: {  	_ =	shalt  }
0x4f: {  	_ =	shalt  }
0x50: {  	_ =	shalt  }
0x51: {  	_ =	shalt  }
0x52: {  	_ =	shalt  }
0x53: {  	_ =	shalt  }
0x54: {  	_ =	shalt  }
0x55: {  	_ =	shalt  }
0x56: {  	_ =	shalt  }
0x57: {  	_ =	shalt  }
0x58: {  	_ =	shalt  }
0x59: {  	_ =	shalt  }
0x5a: {  	_ =	shalt  }
0x5b: {  	_ =	shalt  }
0x5c: {  	_ =	shalt  }
0x5d: {  	_ =	shalt  }
0x5e: {  	_ =	shalt  }
0x5f: {  	_ =	shalt  }
0x60: {  	_ =	shalt  }
0x61: {  	_ =	shalt  }
0x62: {  	_ =	shalt  }
0x63: {  	_ =	shalt  }
0x64: {  	_ =	shalt  }
0x65: {  	_ =	shalt  }
0x66: {  	_ =	shalt  }
0x67: {  	_ =	shalt  }
0x68: {  	_ =	shalt  }
0x69: {  	_ =	shalt  }
0x6a: {  	_ =	shalt  }
0x6b: {  	_ =	shalt  }
0x6c: {  	_ =	shalt  }
0x6d: {  	_ =	shalt  }
0x6e: {  	_ =	shalt  }
0x6f: {  	_ =	shalt  }
0x70: {  	_ =	shalt  }
0x71: {  	_ =	shalt  }
0x72: {  	_ =	shalt  }
0x73: {  	_ =	shalt  }
0x74: {  	_ =	shalt  }
0x75: {  	_ =	shalt  }
0x76: {  	_ =	shalt  }
0x77: {  	_ =	shalt  }
0x78: {  	_ =	shalt  }
0x79: {  	_ =	shalt  }
0x7a: {  	_ =	shalt  }
0x7b: {  	_ =	shalt  }
0x7c: {  	_ =	shalt  }
0x7d: {  	_ =	shalt  }
0x7e: {  	_ =	shalt  }
0x7f: {  	_ =	shalt  }
0x80: {  	_ =	shalt  }
0x81: {  	_ =	shalt  }
0x82: {  	_ =	shalt  }
0x83: {  	_ =	shalt  }
0x84: {  	_ =	shalt  }
0x85: {  	_ =	shalt  }
0x86: {  	_ =	shalt  }
0x87: {  	_ =	shalt  }
.Lfunc_end0:
.L_simem_size_0:
called_computation.3_lowered:
.L_overlay_start_0:
0x88: {  	s2 =	sld [smem:$0x3FD9]  }
0x89: {  	s3 =	sld [smem:$0x3FFE];
	_ =	sdelay $0x1  }
0x8a: {  	s1 =	srdreg.scid  }
0x8b: {  	s0 =	sand.u32 $0x1, s1  }
0x8c: {  	s17 =	sshll.u32 s0, $0xA;
	s2 =	sadd.s32 s3, s2  }
0x8d: {  	s2 =	sadd.s32 s2, s17  }
0x8e: {  	[smem:$0x3FBD] =	sst s2  }
0x8f: {  	_ = 	snop  }
0x90: {  	s2 =	sld [smem:$0x3FD0];
	(tm) =	ssettm $0x1  }
0x91: {  	s18 =	sld [smem:$0x3FFB];
	_ =	sdelay $0x3  }
0x92: {  	_ =	strace s18  }
0x93: {  	s3 =	sld [smem:$0x3FFC];
	_ =	sdelay $0x3  }
0x94: {  	_ =	strace s3  }
0x95: {  	s3 =	sld [smem:$0x3FFD];
	_ =	sdelay $0x3  }
0x96: {  	_ =	strace s3  }
0x97: {  	_ =	strace $0x8FFFFFFF  }
0x98: {  	s19 =	sld [smem:$0x3FDB];
	_ =	sdelay $0x1  }
0x99: {  	s4 =	simm.s32 $_scs_section_size  }
0x9a: {  	s5 =	simm.s32 $_size__tile_overlayer_lowered;
	s6 =	simm.s32 $_tile_overlayer_lowered  }
0x9b: {  	s22 =	simm.s32 $0x1BFF;
	s21 =	sshll.u32 s6, $0x1;
	s3 =	sadd.s32 s4, s19  }
0x9c: {  	s7 =	simm.s32 $0x0;
	s20 =	sshll.u32 s5, $0x1;
	s5 =	sadd.s32 s21, s3  }
0x9d: {  	[timem:s7], [sflag:s22] =	dma.local [hbm:s5], s20  }
0x9e: {  	_ =	swait.ge [sflag:s22], s20  }
0x9f: {  	s4 =	ssub.s32 $0x0, s20;
	[sflag:s22] =	ssyncset.done $0x0  }
0xa0: {  	[sflag:s22] =	ssyncadd.s32 s4;
	_ =	sdelay $0x1  }
0xa1: {  	s23 =	simm.s32 $0x1B8B  }
0xa2: {  	_ =	swait.ge [sflag:s23], $0x1  }
0xa3: {  	[sflag:s23] =	ssyncset.done $0x0  }
0xa4: {  	s25 =	simm.s32 $0x1B8E;
	s24 =	sld [smem:$0x3FFE];
	[sflag:s23] =	ssyncadd.s32 $0xFFFFFFFF  }
0xa5: {  	s26 =	simm.s32 $execute0_lowered;
	[smem:$0x3FD2] =	sst s25  }
0xa6: {  	s5 =	sshll.u32 s26, $0x1;
	_ =	strace $0x8000004F;
	[dreg:$0x1] =	wrdreg $0xFFFFFFFF  }
0xa7: {  	s28 =	simm.s32 $_size_execute0_lowered;
	s3 =	sadd.s32 s3, s5;
	[dreg:$0x0] =	wrdreg $0x0  }
0xa8: {  	s5 =	sshll.u32 s28, $0x1;
	[dreg:$0x2] =	wrdreg s3  }
0xa9: {  	[dreg:$0x3] =	wrdreg s5  }
0xaa: {  	[dreg:$0x4] =	wrdreg $0xC0  }
0xab: {  	_ =	task [dreg:s7], $0x5FFFF  }
0xac: {  	[dreg:$0x1] =	wrdreg $0xFFFFFFFF  }
0xad: {  	[dreg:$0x0] =	wrdreg $0x60  }
0xae: {  	[dreg:$0x2] =	wrdreg s24  }
0xaf: {  	[dreg:$0x3] =	wrdreg s2  }
0xb0: {  	[dreg:$0x4] =	wrdreg $0xB0000  }
0xb1: {  	[dreg:$0x5] =	wrdreg $0x9  }
0xb2: {  	_ =	task.clear_ibuf [dreg:s7], $0x6FFFF;
	_ =	strace $0x9000004F  }
0xb3: {  	s29 =	simm.s32 $0x9;
	_ =	strace $0x80000051  }
0xb4: {  	_ =	swait.ge [sflag:s29], $0x1  }
0xb5: {  	[sflag:s29] =	ssyncadd.s32 $0xFFFFFFFF  }
0xb6: {  	_ =	strace $0x90000051  }
0xb7: {  	_ =	sfence  }
0xb8: {  	s30 =	sld [smem:$0x0];
	_ =	sdelay $0x2  }
0xb9: {  	s31 =	sshll.u32 s1, $0xD;
	s1 =	sshrl.u32 s1, $0x2  }
0xba: {  	s3 =	sand.u32 $0x4000, s31;
	s1 =	sadd.s32 s1, s30  }
0xbb: {  	s0 =	sor.u32 s3, s0;
	s1 =	sshll.u32 s1, $0x11  }
0xbc: {  	s0 =	sor.u32 s1, s0  }
0xbd: {  	s0 =	sadd.s32 $0x8F2B, s0  }
0xbe: {  	[sflag:s0] =	ssyncadd.remote.s32 $0x1  }
0xbf: {  	_ =	sfence.sel $0xFFFF  }
0xc0: {  	[dreg:$0x0] =	wrdreg $0xFFFFFFFF;
	(pc) =	sbr.abs _section_cstart, $3  }
0xc1: {  	[dreg:$0x1] =	wrdreg $0xFFFFFFFF  }
0xc2: {  	_ =	task.clear_ibuf [dreg:s7], $0x2FFFF;
	_ =	strace $0x9FFFFFFF  }
0xc3: {  	(tm) =	ssettm $0x7FFFFFFF  }
tec
execute0_lowered:
.L_overlay_start_1:
0x0: {  	(tag) =	ssettag $0x1  }
0x1: {  	s6 =	rddreg [dreg:$0x0]  }
0x2: {  	s7 =	rddreg [dreg:$0x1]  }
0x3: {  	s2 =	rddreg [dreg:$0x2]  }
0x4: {  	s0 =	rddreg [dreg:$0x3];
	s4 =	srdreg.scid  }
0x5: {  	s3 =	simm.s32 $0x0;
	s1 =	stileid.u32;
	s14 =	simm.s32 $0x50  }
0x6: {  	s15 =	simm.s32 $0x8000;
	s16 =	simm.s32 $0x1;
	s19 =	simm.s32 $0x0  }
0x7: {  	s5 =	sand.u32 $0x1, s4;
	s8 =	sshll.u32 s1, $0xB;
	s10 =	smul.u32 $0x14000, s1  }
0x8: {  	[smem:$0x7FF] =	sst s3;
	s12 =	smul.u32 $0x50000, s1;
	s17 =	sshll.u32 s1, $0x6  }
0x9: {  	s4 =	sshll.u32 s5, $0xF;
	s9 =	smul.u32 $0x140000, s5;
	_ =	strace $0x80000050  }
0xa: {  	s30 =	ssub.s32 $0x2, s5;
	s5 =	sadd.s32 $0x13800, s6;
	s17 =	sor.u32 $0x1C02, s17  }
0xb: {  	s8 =	sor.u32 s8, s4;
	s4 =	sadd.s32 $0x3BA00, s6;
	s13 =	sshrl.u32 s30, $0x1  }
0xc: {  	s31 =	sshrl.u32 s12, $0x2;
	s12 =	simm.s32 $0x2;
	s11 =	sadd.s32 s8, s6  }
0xd: {  	s9 =	sadd.s32 s10, s9;
	s10 =	ssub.s32 s30, s13;
	s7 =	sadd.s32 s7, s8  }
0xe: {  	s13 =	simm.s32 $0x4000;
	s9 =	sshrl.u32 s9, $0x3;
	s8 =	sadd.s32 $0x3800, s11  }
0xf: {  	s10 =	smax.u32 s10, $0x1;
	s9 =	sadd.s32 s9, s6;
	s6 =	sadd.s32 s31, s2  }
0x10: {  	s11 =	simm.s32 $0xA800;
	s9 =	sadd.s32 $0x63A00, s9;
	s18 =	sshrl.u32 s6, $0x3  }
.LBB2_1:
0x11: {  	[tilespmem:s11], [sflag:$0x2] =	stream.linear.gather [hbm4b:s5+s3], $0x800, $0x38;
	[tilespmem:$0x1F000] =	vst v63  }
0x12: {  	_ =	swait.ge [sflag:s12], $0x800  }
0x13: {  	[sflag:s12] =	ssyncset.done $0x0  }
0x14: {  	s20 =	sadd.s32 $0x0, s6;
	[sflag:s12] =	ssyncadd.s32 $0xFFFFF800  }
0x15: {  	[spmem:s20] =	stream.linear.scatter [tilespmem:s11], [sflag:$0x2], $0x800, $0x38;
	[tilespmem:$0x1F000] =	vst v63  }
0x16: {  	s20 =	simm.s32 $0x2000;
	_ =	swait.ge [sflag:s12], $0x800  }
.LBB2_2:
0x17: {  	s21 =	sshra.s32 s20, $0x2;
	[sflag:s12] =	ssyncset.done $0x0;
	p0 =	sne.s32 s20, $0x4E000  }
.Ltmp0:
0x18: {  	s21 =	sadd.s32 s21, s6;
	[sflag:s12] =	ssyncadd.s32 $0xFFFFF800;
	(pc) =	sbr.rel @p0 .LBB2_2-.Ltmp0, $3  }
0x19: {  	[spmem:s21] =	stream.linear.scatter [tilespmem:s11], [sflag:$0x2], $0x800, $0x38;
	[tilespmem:$0x1F000] =	vst v63  }
0x1a: {  	s20 =	sadd.s32 $0x2000, s20;
	_ =	sdelay $0x1  }
0x1b: {  	_ =	swait.ge [sflag:s12], $0x800  }
0x1c: {  	[sflag:s12] =	ssyncset.done $0x0  }
0x1d: {  	[sflag:s12] =	ssyncadd.s32 $0xFFFFF800  }
0x1e: {  	[bflag:$0x0] =	sbarrier.arrive $0xFFFF  }
0x1f: {  	s20 =	simm.s32 $0x0;
	[bflag:$0x0] =	sbarrier.arrive $0xFFFF  }
0x20: {  	[tilespmem:s20], [sflag:$0x2] =	stream.linear.gather [hbm4b:s7+s20], $0x3F00, $0x38;
	[tilespmem:$0x1F000] =	vst v63  }
0x21: {  	_ =	swait.ge [sflag:s12], $0x3F00  }
0x22: {  	[sflag:s12] =	ssyncset.done $0x0  }
0x23: {  	[sflag:s12] =	ssyncadd.s32 $0xFFFFC100  }
0x24: {  	[tilespmem:s13], [sflag:$0x2] =	stream.linear.gather [hbm4b:s8+s20], $0x3F00, $0x38;
	[tilespmem:$0x1F000] =	vst v63  }
0x25: {  	_ =	swait.ge [sflag:s12], $0x3F00  }
0x26: {  	[sflag:s12] =	ssyncset.done $0x0  }
0x27: {  	s30 =	simm.s32 $0x0;
	[sflag:s12] =	ssyncadd.s32 $0xFFFFC100  }
0x28: {  	[tilespmem:s15], [sflag:$0x1] =	stream.indirect.gather [hbm4b:s4+s14], $0x80, s30, s14, $0xb8;
	[tilespmem:$0x1F000] =	vst v63  }
0x29: {  	_ =	swait.ge [sflag:s16], $0x2800  }
0x2a: {  	[sflag:s16] =	ssyncset.done $0x0  }
0x2b: {  	s31 =	simm.s32 $0x4000;
	[sflag:s16] =	ssyncadd.s32 $0xFFFFD800  }
0x2c: {  	[spmem:s2] =	stream.indirect.scatter.add.f32 [tilespmem:s15], [sflag:$0x2], $0x80, s31, s14, $0xb8;
	[tilespmem:$0x1F000] =	vst v63  }
0x2d: {  	_ =	swait.ge [sflag:s12], $0x2800  }
0x2e: {  	s21 =	simm.s32 $0x400;
	s20 =	simm.s32 $0x200;
	[sflag:s12] =	ssyncset.done $0x0  }
.LBB2_4:
0x2f: {  	s22 =	sshra.s32 s20, $0x2  }
0x30: {  	[sflag:s12] =	ssyncadd.s32 $0xFFFFD800;
	s20 =	smov.u32 s21;
	s23 =	sadd.s32 $0x200, s21  }
0x31: {  	[tilespmem:s15], [sflag:$0x1] =	stream.indirect.gather [hbm4b:s4+s14], $0x80, s22, s14, $0xb8;
	[tilespmem:$0x1F000] =	vst v63  }
0x32: {  	p0 =	sne.s32 s21, $0xFA00;
	_ =	swait.ge [sflag:s16], $0x2800  }
.Ltmp1:
0x33: {  	[sflag:s16] =	ssyncset.done $0x0;
	(pc) =	sbr.rel @p0 .LBB2_4-.Ltmp1, $4  }
0x34: {  	s21 =	sadd.s32 $0x4000, s22;
	[sflag:s16] =	ssyncadd.s32 $0xFFFFD800  }
0x35: {  	[spmem:s2] =	stream.indirect.scatter.add.f32 [tilespmem:s15], [sflag:$0x2], $0x80, s21, s14, $0xb8;
	[tilespmem:$0x1F000] =	vst v63  }
0x36: {  	_ =	swait.ge [sflag:s12], $0x2800  }
0x37: {  	s21 =	smov.u32 s23;
	[sflag:s12] =	ssyncset.done $0x0  }
0x38: {  	s20 =	sshra.s32 s20, $0x2;
	[sflag:s12] =	ssyncadd.s32 $0xFFFFD800  }
0x39: {  	[tilespmem:s15], [sflag:$0x1] =	stream.indirect.gather [hbm4b:s4+s14], $0x80, s20, s14, $0xb8;
	[tilespmem:$0x1F000] =	vst v63  }
0x3a: {  	_ =	swait.ge [sflag:s16], $0x2800  }
0x3b: {  	[sflag:s16] =	ssyncset.done $0x0  }
0x3c: {  	s20 =	sadd.s32 $0x4000, s20;
	[sflag:s16] =	ssyncadd.s32 $0xFFFFD800  }
0x3d: {  	[spmem:s2] =	stream.indirect.scatter.add.f32 [tilespmem:s15], [sflag:$0x2], $0x80, s20, s14, $0xb8;
	[tilespmem:$0x1F000] =	vst v63  }
0x3e: {  	_ =	swait.ge [sflag:s12], $0x2800  }
0x3f: {  	[sflag:s12] =	ssyncset.done $0x0  }
0x40: {  	s19 =	sadd.s32 $0x1, s19;
	[sflag:s12] =	ssyncadd.s32 $0xFFFFD800  }
0x41: {  	p0 =	sne.s32 s19, s10;
	[bflag:$0x0] =	sbarrier.arrive $0xFFFF  }
.Ltmp2:
0x42: {  	[bflag:$0x0] =	sbarrier.arrive $0xFFFF;
	(pc) =	sbr.rel @p0 .LBB2_1-.Ltmp2, $4  }
0x43: {  	[hbm:s9], [sflag:s17] =	dma.local [spmem:s18], $0x2800  }
0x44: {  	_ =	swait.ge [sflag:s12], $0x2800  }
0x45: {  	[sflag:s12] =	ssyncset.done $0x0  }
0x46: {  	[sflag:s12] =	ssyncadd.s32 $0xFFFFD800  }
0x47: {  	_ =	sfence.sel $0x180000  }
0x48: {  	[bflag:$0x0] =	sbarrier.arrive $0xFFFF  }
0x49: {  	p0 =	sne.s32 s1, $0x0;
	_ =	strace $0x90000050  }
0x4a: {  	s0 =	sadd.s32 @!p0 $0x100000, s0;
	[bflag:$0x2] =	sbarrier.arrive $0xFFFF  }
0x4b: {  	[sflag:s0] =	ssyncadd.tile.s32 @!p0 $0x1;
	_ =	shalt  }
.Lfunc_end2:
_tile_overlayer_lowered:
.L_overlay_start_2:
0x4c: {  	(tag) =	ssettag $0x2  }
0x4d: {  	s0 =	rddreg [dreg:$0x0];
	s2 =	stileid.u32  }
0x4e: {  	s1 =	rddreg [dreg:$0x1];
	p0 =	sne.s32 s2, $0x0  }
0x4f: {  	s3 =	rddreg [dreg:$0x2];
	[bflag:$0x3] =	sbarrier.arrive $0xFFFF;
	s2 =	simm.s32 @!p0 $0x1C02  }
0x50: {  	[timem:s3], [sflag:s2] =	dma.local @!p0 [hbm:s0], s1  }
0x51: {  	s0 =	simm.s32 @!p0 $0x2  }
0x52: {  	_ =	swait.ge @!p0 [sflag:s0], s1  }
0x53: {  	s1 =	ssub.s32 @!p0 $0x0, s1;
	[sflag:s0] =	ssyncset.done @!p0 $0x0  }
0x54: {  	[sflag:s0] =	ssyncadd.s32 @!p0 s1  }
0x55: {  	[bflag:$0x3] =	sbarrier.arrive $0xFFFF  }
0x56: {  	_ =	shalt  }

// kernel: kernel.9.cloned.1.call-start
scs
__scs_entry_jumppad:
0x0: {  	(pc) =	sbr.rel $0x88, $3  }
0x1: {  	(tag) =	ssettag $0x0;
	lr =	simm.s32 $0x1  }
0x2: {  	[smem:$0x3F96] =	sst lr;
	_ =	strace $0xD0000000  }
0x3: {  	_ = 	snop  }
0x4: {  	_ = 	snop  }
0x5: {  	_ = 	snop  }
0x6: {  	_ = 	snop  }
0x7: {  	_ = 	snop  }
__scs_overlays_trampoline_lowered:
0x8: {  	[smem:$0x3FA5] =	sst s0  }
0x9: {  	[smem:$0x3FA6] =	sst s1  }
0xa: {  	[smem:$0x3FA7] =	sst s2  }
0xb: {  	[smem:$0x3FA8] =	sst s3  }
0xc: {  	[smem:$0x3FA9] =	sst s4  }
0xd: {  	[smem:$0x3FAA] =	sst s5  }
0xe: {  	[smem:$0x3FAB] =	sst s6  }
0xf: {  	[smem:$0x3FAC] =	sst s7  }
0x10: {  	[smem:$0x3FAD] =	sst s8  }
0x11: {  	[smem:$0x3FAE] =	sst s9;
	s0 =	simm.s32 @!p0 $0x0  }
0x12: {  	s1 =	sld [smem:$0x3F94];
	s0 =	simm.s32 @p0 $0x1  }
0x13: {  	[smem:$0x3FAF] =	sst s0;
	s0 =	simm.s32 @!p1 $0x0  }
0x14: {  	s2 =	sld [smem:$0x3F93];
	s0 =	simm.s32 @p1 $0x1  }
0x15: {  	[smem:$0x3FB0] =	sst s0;
	s0 =	simm.s32 @!p2 $0x0  }
0x16: {  	s3 =	sld [smem:$0x3FDB];
	s0 =	simm.s32 @p2 $0x1  }
0x17: {  	s4 =	simm.s32 $0x1BF5;
	[smem:$0x3FB2] =	sst s0  }
0x18: {  	s0 =	sld [smem:$0x3F95];
	_ =	swait.ge [sflag:s4], $0x0  }
0x19: {  	s7 =	sld [smem:$0x3F96]  }
0x1a: {  	s8 =	sadd.s32 $0xFFFFE003, lr  }
0x1b: {  	s9 =	sadd.s32 $0xFFFFFEF7, lr;
	s5 =	simm.s32 $0xFFFFFFFF;
	p2 =	slt.u32 s8, $0xFFFFF086  }
0x1c: {  	p1 =	slt.u32 s9, $0xF7A;
	s5 =	simm.s32 @!p2 $0x0  }
0x1d: {  	s5 =	simm.s32 @p1 $0x1;
	p0 =	seq.s32 s7, s2  }
0x1e: {  	s7 =	smul.u32 @!p0 $0xF7A, s2;
	p2 =	seq.s32 @!p0 s5, $0x0  }
0x1f: {  	s9 =	smul.u32 $0xF7A, s1;
	s8 =	simm.s32 @!p0 $0x1BF5;
	p2 =	por !p2, p0  }
0x20: {  	[sflag:s8] =	ssyncset.s32 @!p0 $0xFFFFF086;
	s6 =	sadd.s32 @!p0 s3, s7;
	s7 =	simm.s32 @!p0 $0x108  }
0x21: {  	s3 =	sadd.s32 s3, s9;
	s6 =	sadd.s32 @!p0 $0x88, s6;
	s7 =	simm.s32 @p2 $0x1082  }
0x22: {  	[simem:s7], [sflag:s8] =	dma.local @!p0 [hbm:s6], $0xF7A  }
0x23: {  	s9 =	sor.u32 $0xD0000000, s2;
	s6 =	simm.s32 $0x108;
	_ =	swait.ge @!p0 [sflag:s8], $0x0  }
0x24: {  	s3 =	sadd.s32 $0x88, s3;
	s6 =	simm.s32 @!p1 $0x1082;
	[sflag:s4] =	ssyncset.s32 $0xFFFFF086  }
0x25: {  	[simem:s6], [sflag:s4] =	dma.local [hbm:s3], $0xF7A  }
0x26: {  	[smem:$0x3F96] =	sst s1;
	(tag) =	ssettag s2;
	_ =	strace s9  }
0x27: {  	s1 =	sld [smem:$0x3FA6]  }
0x28: {  	s2 =	sld [smem:$0x3FA7]  }
0x29: {  	s4 =	sld [smem:$0x3FA9]  }
0x2a: {  	p0 =	seq.s32 s5, $0x0;
	s5 =	sld [smem:$0x3FAA]  }
0x2b: {  	s6 =	sld [smem:$0x3FAB]  }
0x2c: {  	s7 =	sld [smem:$0x3FAC]  }
0x2d: {  	s3 =	simm.s32 $0x108;
	s8 =	sld [smem:$0x3FAD]  }
0x2e: {  	s3 =	simm.s32 @!p0 $0x1082;
	s9 =	sld [smem:$0x3FAE]  }
0x2f: {  	lr =	sadd.s32 s0, s3;
	s0 =	sld [smem:$0x3FA5]  }
0x30: {  	s3 =	sld [smem:$0x3FA8]  }
0x31: {  	[smem:$0x3FB1] =	sst s10  }
0x32: {  	s10 =	sld [smem:$0x3FAF];
	_ =	sdelay $0x3  }
0x33: {  	p0 =	seq.s32 s10, $0x1;
	s10 =	sld [smem:$0x3FB1];
	_ =	sdelay $0x3  }
0x34: {  	[smem:$0x3FB1] =	sst s10  }
0x35: {  	s10 =	sld [smem:$0x3FB0];
	_ =	sdelay $0x3  }
0x36: {  	p1 =	seq.s32 s10, $0x1;
	s10 =	sld [smem:$0x3FB1];
	_ =	sdelay $0x3  }
0x37: {  	[smem:$0x3FB1] =	sst s10  }
0x38: {  	s10 =	sld [smem:$0x3FB2]  }
0x39: {  	_ = 	snop;
	(pc) =	sbr.ind lr, $3  }
0x3a: {  	_ = 	snop  }
0x3b: {  	_ = 	snop  }
0x3c: {  	p2 =	seq.s32 s10, $0x1;
	s10 =	sld [smem:$0x3FB1]  }
0x3d: {  	_ =	shalt  }
0x3e: {  	_ =	shalt  }
0x3f: {  	_ =	shalt  }
0x40: {  	_ =	shalt  }
0x41: {  	_ =	shalt  }
0x42: {  	_ =	shalt  }
0x43: {  	_ =	shalt  }
0x44: {  	_ =	shalt  }
0x45: {  	_ =	shalt  }
0x46: {  	_ =	shalt  }
0x47: {  	_ =	shalt  }
0x48: {  	_ =	shalt  }
0x49: {  	_ =	shalt  }
0x4a: {  	_ =	shalt  }
0x4b: {  	_ =	shalt  }
0x4c: {  	_ =	shalt  }
0x4d: {  	_ =	shalt  }
0x4e: {  	_ =	shalt  }
0x4f: {  	_ =	shalt  }
0x50: {  	_ =	shalt  }
0x51: {  	_ =	shalt  }
0x52: {  	_ =	shalt  }
0x53: {  	_ =	shalt  }
0x54: {  	_ =	shalt  }
0x55: {  	_ =	shalt  }
0x56: {  	_ =	shalt  }
0x57: {  	_ =	shalt  }
0x58: {  	_ =	shalt  }
0x59: {  	_ =	shalt  }
0x5a: {  	_ =	shalt  }
0x5b: {  	_ =	shalt  }
0x5c: {  	_ =	shalt  }
0x5d: {  	_ =	shalt  }
0x5e: {  	_ =	shalt  }
0x5f: {  	_ =	shalt  }
0x60: {  	_ =	shalt  }
0x61: {  	_ =	shalt  }
0x62: {  	_ =	shalt  }
0x63: {  	_ =	shalt  }
0x64: {  	_ =	shalt  }
0x65: {  	_ =	shalt  }
0x66: {  	_ =	shalt  }
0x67: {  	_ =	shalt  }
0x68: {  	_ =	shalt  }
0x69: {  	_ =	shalt  }
0x6a: {  	_ =	shalt  }
0x6b: {  	_ =	shalt  }
0x6c: {  	_ =	shalt  }
0x6d: {  	_ =	shalt  }
0x6e: {  	_ =	shalt  }
0x6f: {  	_ =	shalt  }
0x70: {  	_ =	shalt  }
0x71: {  	_ =	shalt  }
0x72: {  	_ =	shalt  }
0x73: {  	_ =	shalt  }
0x74: {  	_ =	shalt  }
0x75: {  	_ =	shalt  }
0x76: {  	_ =	shalt  }
0x77: {  	_ =	shalt  }
0x78: {  	_ =	shalt  }
0x79: {  	_ =	shalt  }
0x7a: {  	_ =	shalt  }
0x7b: {  	_ =	shalt  }
0x7c: {  	_ =	shalt  }
0x7d: {  	_ =	shalt  }
0x7e: {  	_ =	shalt  }
0x7f: {  	_ =	shalt  }
0x80: {  	_ =	shalt  }
0x81: {  	_ =	shalt  }
0x82: {  	_ =	shalt  }
0x83: {  	_ =	shalt  }
0x84: {  	_ =	shalt  }
0x85: {  	_ =	shalt  }
0x86: {  	_ =	shalt  }
0x87: {  	_ =	shalt  }
.Lfunc_end0:
.L_simem_size_0:
called_computation_lowered:
.L_overlay_start_0:
0x88: {  	s2 =	sld [smem:$0x3FD9]  }
0x89: {  	s3 =	sld [smem:$0x3FFE];
	_ =	sdelay $0x1  }
0x8a: {  	s1 =	srdreg.scid  }
0x8b: {  	s0 =	sand.u32 $0x1, s1  }
0x8c: {  	s16 =	sshll.u32 s0, $0xA;
	s2 =	sadd.s32 s3, s2  }
0x8d: {  	s2 =	sadd.s32 s2, s16  }
0x8e: {  	[smem:$0x3FBD] =	sst s2  }
0x8f: {  	_ = 	snop  }
0x90: {  	(tm) =	ssettm $0x1  }
0x91: {  	s17 =	sld [smem:$0x3FFB];
	_ =	sdelay $0x3  }
0x92: {  	_ =	strace s17  }
0x93: {  	s2 =	sld [smem:$0x3FFC];
	_ =	sdelay $0x3  }
0x94: {  	_ =	strace s2  }
0x95: {  	s2 =	sld [smem:$0x3FFD];
	_ =	sdelay $0x3  }
0x96: {  	_ =	strace s2  }
0x97: {  	_ =	strace $0x8FFFFFFF  }
0x98: {  	s18 =	sld [smem:$0x3FDB];
	_ =	sdelay $0x1  }
0x99: {  	s19 =	simm.s32 $_scs_section_size  }
0x9a: {  	s4 =	simm.s32 $_size__tile_overlayer_lowered;
	s5 =	simm.s32 $_tile_overlayer_lowered  }
0x9b: {  	s22 =	simm.s32 $0x1BFF;
	s21 =	sshll.u32 s5, $0x1;
	s2 =	sadd.s32 s19, s18  }
0x9c: {  	s6 =	simm.s32 $0x0;
	s20 =	sshll.u32 s4, $0x1;
	s4 =	sadd.s32 s21, s2  }
0x9d: {  	[timem:s6], [sflag:s22] =	dma.local [hbm:s4], s20  }
0x9e: {  	_ =	swait.ge [sflag:s22], s20  }
0x9f: {  	s3 =	ssub.s32 $0x0, s20;
	[sflag:s22] =	ssyncset.done $0x0  }
0xa0: {  	[sflag:s22] =	ssyncadd.s32 s3;
	_ =	sdelay $0x1  }
0xa1: {  	s23 =	simm.s32 $0x1B8B  }
0xa2: {  	_ =	swait.ge [sflag:s23], $0x1  }
0xa3: {  	[sflag:s23] =	ssyncset.done $0x0  }
0xa4: {  	s25 =	simm.s32 $0x1B8E;
	s24 =	sld [smem:$0x3FFE];
	[sflag:s23] =	ssyncadd.s32 $0xFFFFFFFF  }
0xa5: {  	s26 =	simm.s32 $execute0_lowered;
	[smem:$0x3FD2] =	sst s25  }
0xa6: {  	s4 =	sshll.u32 s26, $0x1;
	_ =	strace $0x80000046;
	[dreg:$0x1] =	wrdreg $0xFFFFFFFF  }
0xa7: {  	s28 =	simm.s32 $_size_execute0_lowered;
	s2 =	sadd.s32 s2, s4;
	[dreg:$0x0] =	wrdreg $0x0  }
0xa8: {  	s4 =	sshll.u32 s28, $0x1;
	[dreg:$0x2] =	wrdreg s2  }
0xa9: {  	[dreg:$0x3] =	wrdreg s4  }
0xaa: {  	[dreg:$0x4] =	wrdreg $0xC0  }
0xab: {  	_ =	task [dreg:s6], $0x5FFFF  }
0xac: {  	[dreg:$0x1] =	wrdreg $0xFFFFFFFF  }
0xad: {  	[dreg:$0x0] =	wrdreg $0x60  }
0xae: {  	[dreg:$0x2] =	wrdreg s24  }
0xaf: {  	[dreg:$0x3] =	wrdreg $0x70000  }
0xb0: {  	[dreg:$0x4] =	wrdreg $0x9  }
0xb1: {  	_ =	task.clear_ibuf [dreg:s6], $0x5FFFF;
	_ =	strace $0x90000046  }
0xb2: {  	s29 =	simm.s32 $0x9;
	_ =	strace $0x80000048  }
0xb3: {  	_ =	swait.ge [sflag:s29], $0x1  }
0xb4: {  	[sflag:s29] =	ssyncadd.s32 $0xFFFFFFFF  }
0xb5: {  	_ =	strace $0x90000048  }
0xb6: {  	_ =	sfence  }
0xb7: {  	s30 =	sld [smem:$0x0];
	_ =	sdelay $0x2  }
0xb8: {  	s31 =	sshll.u32 s1, $0xD;
	s1 =	sshrl.u32 s1, $0x2  }
0xb9: {  	s3 =	sand.u32 $0x4000, s31;
	s1 =	sadd.s32 s1, s30  }
0xba: {  	s0 =	sor.u32 s3, s0;
	s1 =	sshll.u32 s1, $0x11  }
0xbb: {  	s0 =	sor.u32 s1, s0  }
0xbc: {  	s0 =	sadd.s32 $0x8F2B, s0  }
0xbd: {  	[sflag:s0] =	ssyncadd.remote.s32 $0x1  }
0xbe: {  	_ =	sfence.sel $0xFFFF  }
0xbf: {  	[dreg:$0x0] =	wrdreg $0xFFFFFFFF;
	(pc) =	sbr.abs _section_cstart, $3  }
0xc0: {  	[dreg:$0x1] =	wrdreg $0xFFFFFFFF  }
0xc1: {  	_ =	task.clear_ibuf [dreg:s6], $0x2FFFF;
	_ =	strace $0x9FFFFFFF  }
0xc2: {  	(tm) =	ssettm $0x7FFFFFFF  }
0xc3: {  	_ =	shalt  }
tec
execute0_lowered:
.L_overlay_start_1:
0x0: {  	(tag) =	ssettag $0x1  }
0x1: {  	s6 =	rddreg [dreg:$0x0]  }
0x2: {  	s1 =	rddreg [dreg:$0x1]  }
0x3: {  	s2 =	srdreg.scid;
	s0 =	rddreg [dreg:$0x2]  }
0x4: {  	s3 =	simm.s32 $0x0;
	s12 =	simm.s32 $0x4000;
	s13 =	simm.s32 $0x50  }
0x5: {  	s16 =	simm.s32 $0x0;
	s7 =	sand.u32 $0x1, s2;
	s2 =	stileid.u32  }
0x6: {  	[smem:$0x7FF] =	sst s3;
	s5 =	sadd.s32 $0x13800, s6;
	s8 =	smul.u32 $0x140000, s7  }
0x7: {  	s4 =	sshll.u32 s2, $0xB;
	s9 =	smul.u32 $0x14000, s2;
	_ =	strace $0x80000047  }
0x8: {  	s29 =	ssub.s32 $0x2, s7;
	s11 =	smul.u32 $0x50000, s2;
	s7 =	sshll.u32 s7, $0xF  }
0x9: {  	s14 =	sshll.u32 s2, $0x6;
	s10 =	sadd.s32 s4, s6;
	s4 =	sadd.s32 $0x13A00, s6  }
0xa: {  	s30 =	sshrl.u32 s29, $0x1;
	s14 =	sor.u32 $0x1C01, s14;
	s8 =	sadd.s32 s9, s8  }
0xb: {  	s9 =	ssub.s32 s29, s30;
	s31 =	sshrl.u32 s11, $0x2;
	s7 =	sadd.s32 s7, s10  }
0xc: {  	s10 =	simm.s32 $0x6800;
	s11 =	simm.s32 $0x1;
	s8 =	sshrl.u32 s8, $0x3  }
0xd: {  	s7 =	sadd.s32 $0x3800, s7;
	s8 =	sadd.s32 s8, s6;
	s6 =	sadd.s32 s31, s1  }
0xe: {  	s9 =	smax.u32 s9, $0x1;
	s8 =	sadd.s32 $0x14000, s8;
	s15 =	sshrl.u32 s6, $0x3  }
.LBB2_1:
0xf: {  	[tilespmem:s10], [sflag:$0x1] =	stream.linear.gather [hbm4b:s5+s3], $0x800, $0x38;
	[tilespmem:$0x1B000] =	vst v63  }
0x10: {  	_ =	swait.ge [sflag:s11], $0x800  }
0x11: {  	[sflag:s11] =	ssyncset.done $0x0  }
0x12: {  	[sflag:s11] =	ssyncadd.s32 $0xFFFFF800  }
0x13: {  	[tilespmem:s12], [sflag:$0x1] =	stream.linear.gather [hbm4b:s4+s3], $0x2800, $0x38;
	[tilespmem:$0x1B000] =	vst v63  }
0x14: {  	_ =	swait.ge [sflag:s11], $0x2800  }
0x15: {  	[sflag:s11] =	ssyncset.done $0x0  }
0x16: {  	s17 =	sadd.s32 $0x0, s6;
	[sflag:s11] =	ssyncadd.s32 $0xFFFFD800  }
0x17: {  	[spmem:s17] =	stream.linear.scatter [tilespmem:s10], [sflag:$0x1], $0x800, $0x38;
	[tilespmem:$0x1B000] =	vst v63  }
0x18: {  	s17 =	simm.s32 $0x2000;
	_ =	swait.ge [sflag:s11], $0x800  }
.LBB2_2:
0x19: {  	s18 =	sshra.s32 s17, $0x2;
	[sflag:s11] =	ssyncset.done $0x0;
	p0 =	sne.s32 s17, $0x4E000  }
.Ltmp0:
0x1a: {  	s18 =	sadd.s32 s18, s6;
	[sflag:s11] =	ssyncadd.s32 $0xFFFFF800;
	(pc) =	sbr.rel @p0 .LBB2_2-.Ltmp0, $3  }
0x1b: {  	[spmem:s18] =	stream.linear.scatter [tilespmem:s10], [sflag:$0x1], $0x800, $0x38;
	[tilespmem:$0x1B000] =	vst v63  }
0x1c: {  	s17 =	sadd.s32 $0x2000, s17;
	_ =	sdelay $0x1  }
0x1d: {  	_ =	swait.ge [sflag:s11], $0x800  }
0x1e: {  	[sflag:s11] =	ssyncset.done $0x0  }
0x1f: {  	[sflag:s11] =	ssyncadd.s32 $0xFFFFF800  }
0x20: {  	[bflag:$0x0] =	sbarrier.arrive $0xFFFF  }
0x21: {  	s17 =	simm.s32 $0x0;
	[bflag:$0x0] =	sbarrier.arrive $0xFFFF  }
0x22: {  	[tilespmem:s17], [sflag:$0x1] =	stream.linear.gather [hbm4b:s7+s17], $0x3F00, $0x38;
	[tilespmem:$0x1B000] =	vst v63  }
0x23: {  	_ =	swait.ge [sflag:s11], $0x3F00  }
0x24: {  	[sflag:s11] =	ssyncset.done $0x0  }
0x25: {  	s31 =	simm.s32 $0x0;
	[sflag:s11] =	ssyncadd.s32 $0xFFFFC100  }
0x26: {  	[spmem:s1] =	stream.indirect.scatter.add.f32 [tilespmem:s12], [sflag:$0x1], $0x80, s31, s13, $0xb8;
	[tilespmem:$0x1B000] =	vst v63  }
0x27: {  	_ =	swait.ge [sflag:s11], $0x2800  }
0x28: {  	s17 =	simm.s32 $0x200;
	[sflag:s11] =	ssyncset.done $0x0  }
.LBB2_4:
0x29: {  	s18 =	sshra.s32 s17, $0x2;
	[sflag:s11] =	ssyncadd.s32 $0xFFFFD800;
	p0 =	sne.s32 s17, $0xFA00  }
0x2a: {  	[spmem:s1] =	stream.indirect.scatter.add.f32 [tilespmem:s12], [sflag:$0x1], $0x80, s18, s13, $0xb8;
	[tilespmem:$0x1B000] =	vst v63  }
.Ltmp1:
0x2b: {  	_ = 	snop;
	(pc) =	sbr.rel @p0 .LBB2_4-.Ltmp1, $4  }
0x2c: {  	_ = 	snop  }
0x2d: {  	s17 =	sadd.s32 $0x200, s17  }
0x2e: {  	_ =	swait.ge [sflag:s11], $0x2800  }
0x2f: {  	[sflag:s11] =	ssyncset.done $0x0  }
0x30: {  	[sflag:s11] =	ssyncadd.s32 $0xFFFFD800;
	s16 =	sadd.s32 $0x1, s16  }
0x31: {  	[bflag:$0x0] =	sbarrier.arrive $0xFFFF;
	p0 =	sne.s32 s16, s9  }
.Ltmp2:
0x32: {  	[bflag:$0x0] =	sbarrier.arrive $0xFFFF;
	(pc) =	sbr.rel @p0 .LBB2_1-.Ltmp2, $4  }
0x33: {  	[hbm:s8], [sflag:s14] =	dma.local [spmem:s15], $0x2800  }
0x34: {  	_ =	swait.ge [sflag:s11], $0x2800  }
0x35: {  	[sflag:s11] =	ssyncset.done $0x0  }
0x36: {  	[sflag:s11] =	ssyncadd.s32 $0xFFFFD800  }
0x37: {  	_ =	sfence.sel $0x180000  }
0x38: {  	[bflag:$0x0] =	sbarrier.arrive $0xFFFF  }
0x39: {  	p0 =	sne.s32 s2, $0x0;
	_ =	strace $0x90000047  }
0x3a: {  	s0 =	sadd.s32 @!p0 $0x100000, s0;
	[bflag:$0x2] =	sbarrier.arrive $0xFFFF  }
0x3b: {  	[sflag:s0] =	ssyncadd.tile.s32 @!p0 $0x1;
	_ =	shalt  }
.Lfunc_end2:
_tile_overlayer_lowered:
.L_overlay_start_2:
0x3c: {  	(tag) =	ssettag $0x2  }
0x3d: {  	s0 =	rddreg [dreg:$0x0];
	s2 =	stileid.u32  }
0x3e: {  	s1 =	rddreg [dreg:$0x1];
	p0 =	sne.s32 s2, $0x0  }
0x3f: {  	s3 =	rddreg [dreg:$0x2];
	[bflag:$0x3] =	sbarrier.arrive $0xFFFF;
	s2 =	simm.s32 @!p0 $0x1C01  }
0x40: {  	[timem:s3], [sflag:s2] =	dma.local @!p0 [hbm:s0], s1  }
0x41: {  	s0 =	simm.s32 @!p0 $0x1  }
0x42: {  	_ =	swait.ge @!p0 [sflag:s0], s1  }
0x43: {  	s1 =	ssub.s32 @!p0 $0x0, s1;
	[sflag:s0] =	ssyncset.done @!p0 $0x0  }
0x44: {  	[sflag:s0] =	ssyncadd.s32 @!p0 s1  }
0x45: {  	[bflag:$0x3] =	sbarrier.arrive $0xFFFF  }
0x46: {  	_ =	shalt  }

</sc_bundles>
